<compile_context>
chip_gen: v7x
topology: tpu7x:2x2x1
jax: 0.10.2.dev20260603
libtpu: 0.0.44.dev20260713+nightly
codegen_flags: <defaults>
</compile_context>

<pallas_src>
import functools

import jax
import jax.numpy as jnp
import numpy as np
from jax import lax
from jax.experimental import pallas as pl
from jax.experimental.pallas import tpu as pltpu
from jax.experimental.pallas import tpu_sc as plsc

B = 4096
N = 128
NP = N + 1
D = N * (N + 1) // 2
NN = N * N
NNP = N * NP
NCHUNK = D // 16
UNROLL = 8

_NUM_CORES = 2
_NUM_SUBCORES = 16
_NUM_WORKERS = _NUM_CORES * _NUM_SUBCORES
ROWS_PER_WORKER = B // _NUM_WORKERS
CB = 2
NBLK = ROWS_PER_WORKER // CB


def _scatter_table() -> np.ndarray:
    iu, ju = np.triu_indices(N)
    return (iu * 256 + ju).astype(np.int32)


_mesh = plsc.VectorSubcoreMesh(core_axis_name="c", subcore_axis_name="s")


@functools.partial(
    pl.kernel,
    out_type=jax.ShapeDtypeStruct((B * N, N), jnp.float32),
    mesh=_mesh,
    compiler_params=pltpu.CompilerParams(needs_layout_passes=False, use_tc_tiling_on_sc=False),
    scratch_types=[
        pltpu.VMEM((D,), jnp.int32),
        pltpu.VMEM((CB, D), jnp.float32),
        pltpu.VMEM((CB, D), jnp.float32),
        pltpu.VMEM((CB * N, NP), jnp.float32),
        pltpu.VMEM((CB * N, NP), jnp.float32),
        pltpu.SemaphoreType.DMA,
        pltpu.SemaphoreType.DMA,
        pltpu.SemaphoreType.DMA,
        pltpu.SemaphoreType.DMA,
    ],
)
def _unvec_kernel(x_hbm, idx_hbm, out_hbm,
                  idx_v, in_a, in_b, out_a, out_b,
                  sin_a, sin_b, sout_a, sout_b):
    wid = lax.axis_index("s") * _NUM_CORES + lax.axis_index("c")
    base = wid * ROWS_PER_WORKER
    pltpu.sync_copy(idx_hbm, idx_v)

    in_bufs = (in_a, in_b)
    out_bufs = (out_a, out_b)
    in_sems = (sin_a, sin_b)
    out_sems = (sout_a, sout_b)

    def start_in(g, s):
        b = base + g * CB
        pltpu.async_copy(x_hbm.at[pl.ds(b, CB), :], in_bufs[s], in_sems[s])

    def wait_in(s):
        pltpu.make_async_copy(
            x_hbm.at[pl.ds(base, CB), :], in_bufs[s], in_sems[s]).wait()

    def start_out(g, s):
        b = base + g * CB
        pltpu.async_copy(out_bufs[s].at[:, pl.ds(0, N)],
                         out_hbm.at[pl.ds(b * N, CB * N)], out_sems[s])

    def wait_out(s):
        pltpu.make_async_copy(
            out_bufs[s].at[:, pl.ds(0, N)],
            out_hbm.at[pl.ds(base * N, CB * N)], out_sems[s]).wait()

    start_in(0, 0)

    def outer(g2, carry):
        for s in range(2):
            g = g2 * 2 + s
            wait_in(s)

            @pl.when(g + 1 < NBLK)
            def _():
                start_in(g + 1, 1 - s)

            @pl.when(g >= 2)
            def _():
                wait_out(s)

            src = in_bufs[s]
            dst0 = out_bufs[s].at[pl.ds(0, N)]
            dst1 = out_bufs[s].at[pl.ds(N, N)]

            @plsc.parallel_loop(0, NCHUNK, 1, unroll=UNROLL)
            def chunk(k, src=src, dst0=dst0, dst1=dst1):
                off = k * 16
                pk = idx_v[pl.ds(off, 16)]
                a = lax.shift_right_logical(pk, 8)
                b2 = lax.bitwise_and(pk, 255)
                v0 = src[0, pl.ds(off, 16)]
                v1 = src[1, pl.ds(off, 16)]
                plsc.store_scatter(dst0, [a, b2], v0)
                plsc.store_scatter(dst0, [b2, a], v0)
                plsc.store_scatter(dst1, [a, b2], v1)
                plsc.store_scatter(dst1, [b2, a], v1)

            start_out(g, s)
        return carry

    lax.fori_loop(0, NBLK // 2, outer, 0, unroll=False)
    wait_out(0)
    wait_out(1)


def kernel(input):
    idx = jnp.asarray(_scatter_table())
    out = _unvec_kernel(input, idx)
    return out.reshape(B, N, N)

# --- scband reference (transcript-rebuilt; emitter-appended) ---
"""Pipeline reference for scband-spdun-vectorize-13546326851714 (READ-ONLY COPY).

The authoritative reference and input builder live on the scoring server;
editing this copy changes nothing except your own understanding.
"""

import jax, jax.numpy as jnp
import numpy as np

B = 4096
N = 128
D = N * (N + 1) // 2  # 8256


def setup_inputs(seed: int = 0) -> dict:
    key = jax.random.key(seed)
    x = jax.random.normal(key, (B, D), dtype=jnp.float32)
    return {"input": x}


def reference(input) -> jnp.ndarray:
    # SPDUnVectorize: scatter vectorized upper-triangular entries into a
    # symmetric n x n matrix per batch element.
    d = input.shape[1]
    n = int(-0.5 + 0.5 * np.sqrt(1 + 8 * d))
    iu, ju = np.triu_indices(n)
    iu = jnp.asarray(iu)
    ju = jnp.asarray(ju)
    b = input.shape[0]
    out = jnp.zeros((b, n, n), dtype=input.dtype)
    # scatter-overwrite upper triangle (including diagonal)
    out = out.at[:, iu, ju].set(input)
    # symmetrize: out = out + out^T, then halve the (doubled) diagonal
    out = out + jnp.transpose(out, (0, 2, 1))
    di = jnp.arange(n)
    out = out.at[:, di, di].multiply(0.5)
    return out

if __name__ == "__main__":
    import jax
    _d = setup_inputs()
    print(jax.jit(kernel)(*tuple(_d.values())))

</pallas_src>

<mosaic_0001>
#map = affine_map<(d0, d1) -> (0, 0)>
#map1 = affine_map<(d0, d1) -> (0)>
module attributes {stable_mosaic.version = 14 : i64} {
  func.func @_unvec_kernel(%arg0: i32, %arg1: i32, %arg2: memref<4096x8256xf32, #tpu.memory_space<hbm>>, %arg3: memref<8256xi32, #tpu.memory_space<hbm>>, %arg4: memref<524288x128xf32, #tpu.memory_space<hbm>>, %arg5: memref<8256xi32, #tpu.memory_space<vmem>>, %arg6: memref<2x8256xf32, #tpu.memory_space<vmem>>, %arg7: memref<2x8256xf32, #tpu.memory_space<vmem>>, %arg8: memref<256x129xf32, #tpu.memory_space<vmem>>, %arg9: memref<256x129xf32, #tpu.memory_space<vmem>>, %arg10: memref<!tpu.dma_semaphore, #tpu.memory_space<semaphore_mem>>, %arg11: memref<!tpu.dma_semaphore, #tpu.memory_space<semaphore_mem>>, %arg12: memref<!tpu.dma_semaphore, #tpu.memory_space<semaphore_mem>>, %arg13: memref<!tpu.dma_semaphore, #tpu.memory_space<semaphore_mem>>) attributes {dimension_semantics = [#tpu.dimension_semantics<core_parallel>, #tpu.dimension_semantics<subcore_parallel>], iteration_bounds = array<i64: 2, 16>, scalar_prefetch = 0 : i64, scratch_operands = 9 : i64, tpu.core_type = #tpu.core_type<sc_vector_subcore>, window_params = [{transform_indices = #map}, {transform_indices = #map1}, {transform_indices = #map}]} {
    %mul3A = arith.constant 2 : i32
    %mul3A_0 = arith.muli %arg1, %mul3A : i32
    %add3A = arith.addi %mul3A_0, %arg0 : i32
    %mul3A_1 = arith.constant 128 : i32
    %mul3A_2 = arith.muli %add3A, %mul3A_1 : i32
    "tpu.region"() ({
      %run_scoped3A = tpu.sem_alloc : memref<!tpu.dma_semaphore, #tpu.memory_space<semaphore_mem>>
      tpu.enqueue_dma source(%arg3 : memref<8256xi32, #tpu.memory_space<hbm>>) target(%arg5 : memref<8256xi32, #tpu.memory_space<vmem>>) target_semaphore(%run_scoped3A : memref<!tpu.dma_semaphore, #tpu.memory_space<semaphore_mem>>)
      tpu.wait_dma2 semaphore(%run_scoped3A : memref<!tpu.dma_semaphore, #tpu.memory_space<semaphore_mem>>) src(%arg3 : memref<8256xi32, #tpu.memory_space<hbm>>) dst(%arg5 : memref<8256xi32, #tpu.memory_space<vmem>>)
      tpu.yield
    }) : () -> ()
    %add3A_3 = arith.constant 0 : i32
    %add3A_4 = arith.addi %mul3A_2, %add3A_3 : i32
    %dma_start3A = arith.constant 0 : i32
    %dma_start3A_5 = tpu.memref_slice %arg2[%add3A_4, %dma_start3A] : memref<4096x8256xf32, #tpu.memory_space<hbm>> -> memref<2x8256xf32, #tpu.memory_space<hbm>>
    %dma_start3A_6 = arith.constant 0 : i32
    %dma_start3A_7 = tpu.memref_slice %arg2[%add3A_4, %dma_start3A_6] : memref<4096x8256xf32, #tpu.memory_space<hbm>> -> memref<2x8256xf32, #tpu.memory_space<hbm>>
    tpu.enqueue_dma source(%dma_start3A_7 : memref<2x8256xf32, #tpu.memory_space<hbm>>) target(%arg6 : memref<2x8256xf32, #tpu.memory_space<vmem>>) target_semaphore(%arg10 : memref<!tpu.dma_semaphore, #tpu.memory_space<semaphore_mem>>)
    %scan3A = arith.constant 0 : i32
    %scan3A_8 = arith.constant 0 : i32
    %scan3A_9 = arith.constant 32 : i32
    %scan3A_10 = arith.addi %scan3A_8, %scan3A_9 : i32
    %scan3A_11 = arith.constant 1 : i32
    scf.for %scan3A_36 = %scan3A_8 to %scan3A_10 step %scan3A_11  : i32 {
      %mul3A_37 = arith.constant 2 : i32
      %mul3A_38 = arith.muli %scan3A_36, %mul3A_37 : i32
      %add3A_39 = arith.constant 0 : i32
      %add3A_40 = arith.addi %mul3A_38, %add3A_39 : i32
      %dma_wait3A_41 = arith.constant 0 : i32
      %dma_wait3A_42 = tpu.memref_slice %arg2[%mul3A_2, %dma_wait3A_41] : memref<4096x8256xf32, #tpu.memory_space<hbm>> -> memref<2x8256xf32, #tpu.memory_space<hbm>>
      %dma_wait3A_43 = arith.constant 0 : i32
      %dma_wait3A_44 = tpu.memref_slice %arg2[%mul3A_2, %dma_wait3A_43] : memref<4096x8256xf32, #tpu.memory_space<hbm>> -> memref<2x8256xf32, #tpu.memory_space<hbm>>
      tpu.wait_dma2 semaphore(%arg10 : memref<!tpu.dma_semaphore, #tpu.memory_space<semaphore_mem>>) src(%dma_wait3A_44 : memref<2x8256xf32, #tpu.memory_space<hbm>>) dst(%arg6 : memref<2x8256xf32, #tpu.memory_space<vmem>>)
      %add3A_45 = arith.constant 1 : i32
      %add3A_46 = arith.addi %add3A_40, %add3A_45 : i32
      %lt3A = arith.constant 64 : i32
      %lt3A_47 = arith.cmpi slt, %add3A_46, %lt3A : i32
      %convert_element_type3A = arith.extui %lt3A_47 : i1 to i32
      %cond3A = arith.constant 0 : i32
      %cond3A_48 = arith.cmpi ne, %convert_element_type3A, %cond3A : i32
      scf.if %cond3A_48 {
        %add3A_108 = arith.constant 1 : i32
        %add3A_109 = arith.addi %add3A_40, %add3A_108 : i32
        %mul3A_110 = arith.constant 2 : i32
        %mul3A_111 = arith.muli %add3A_109, %mul3A_110 : i32
        %add3A_112 = arith.addi %mul3A_2, %mul3A_111 : i32
        %dma_start3A_113 = arith.constant 0 : i32
        %dma_start3A_114 = tpu.memref_slice %arg2[%add3A_112, %dma_start3A_113] : memref<4096x8256xf32, #tpu.memory_space<hbm>> -> memref<2x8256xf32, #tpu.memory_space<hbm>>
        %dma_start3A_115 = arith.constant 0 : i32
        %dma_start3A_116 = tpu.memref_slice %arg2[%add3A_112, %dma_start3A_115] : memref<4096x8256xf32, #tpu.memory_space<hbm>> -> memref<2x8256xf32, #tpu.memory_space<hbm>>
        tpu.enqueue_dma source(%dma_start3A_116 : memref<2x8256xf32, #tpu.memory_space<hbm>>) target(%arg7 : memref<2x8256xf32, #tpu.memory_space<vmem>>) target_semaphore(%arg11 : memref<!tpu.dma_semaphore, #tpu.memory_space<semaphore_mem>>)
      } else {
      }
      %ge3A = arith.constant 2 : i32
      %ge3A_49 = arith.cmpi sge, %add3A_40, %ge3A : i32
      %convert_element_type3A_50 = arith.extui %ge3A_49 : i1 to i32
      %cond3A_51 = arith.constant 0 : i32
      %cond3A_52 = arith.cmpi ne, %convert_element_type3A_50, %cond3A_51 : i32
      scf.if %cond3A_52 {
        %mul3A_108 = arith.constant 128 : i32
        %mul3A_109 = arith.muli %mul3A_2, %mul3A_108 : i32
        %dma_wait3A_110 = arith.constant 0 : i32
        %dma_wait3A_111 = arith.constant 0 : i32
        %dma_wait3A_112 = tpu.memref_slice %arg8[%dma_wait3A_110, %dma_wait3A_111] : memref<256x129xf32, #tpu.memory_space<vmem>> -> memref<256x128xf32, #tpu.memory_space<vmem>>
        %dma_wait3A_113 = arith.constant 0 : i32
        %dma_wait3A_114 = tpu.memref_slice %arg4[%mul3A_109, %dma_wait3A_113] : memref<524288x128xf32, #tpu.memory_space<hbm>> -> memref<256x128xf32, #tpu.memory_space<hbm>>
        %dma_wait3A_115 = arith.constant 0 : i32
        %dma_wait3A_116 = tpu.memref_slice %arg4[%mul3A_109, %dma_wait3A_115] : memref<524288x128xf32, #tpu.memory_space<hbm>> -> memref<256x128xf32, #tpu.memory_space<hbm>>
        %dma_wait3A_117 = arith.constant 0 : i32
        %dma_wait3A_118 = arith.constant 0 : i32
        %dma_wait3A_119 = tpu.memref_slice %arg8[%dma_wait3A_117, %dma_wait3A_118] : memref<256x129xf32, #tpu.memory_space<vmem>> -> memref<256x128xf32, #tpu.memory_space<vmem>>
        tpu.wait_dma2 semaphore(%arg12 : memref<!tpu.dma_semaphore, #tpu.memory_space<semaphore_mem>>) src(%dma_wait3A_119 : memref<256x128xf32, #tpu.memory_space<vmem>>) dst(%dma_wait3A_116 : memref<256x128xf32, #tpu.memory_space<hbm>>)
      } else {
      }
      %parallel_loop3A = arith.constant 0 : i32
      %parallel_loop3A_53 = arith.constant 516 : i32
      %parallel_loop3A_54 = arith.constant 1 : i32
      scf.for %parallel_loop3A_108 = %parallel_loop3A to %parallel_loop3A_53 step %parallel_loop3A_54  : i32 {
        %parallel_loop3A_109 = arith.constant 16 : i32
        %parallel_loop3A_110 = arith.muli %parallel_loop3A_108, %parallel_loop3A_109 : i32
        %parallel_loop3A_111 = arith.index_cast %parallel_loop3A_110 : i32 to index
        %parallel_loop3A_112 = tpu.vector_load %arg5[%parallel_loop3A_111] {strides = array<i32>} : memref<8256xi32, #tpu.memory_space<vmem>>, vector<16xi32>,
        %parallel_loop3A_113 = arith.constant 8 : i32
        %parallel_loop3A_114 = vector.broadcast %parallel_loop3A_113 : i32 to vector<16xi32>
        %parallel_loop3A_115 = arith.shrui %parallel_loop3A_112, %parallel_loop3A_114 : vector<16xi32>
        %parallel_loop3A_116 = arith.constant 255 : i32
        %parallel_loop3A_117 = vector.broadcast %parallel_loop3A_116 : i32 to vector<16xi32>
        %parallel_loop3A_118 = arith.andi %parallel_loop3A_112, %parallel_loop3A_117 : vector<16xi32>
        %parallel_loop3A_119 = arith.constant 0 : i32
        %parallel_loop3A_120 = arith.index_cast %parallel_loop3A_119 : i32 to index
        %parallel_loop3A_121 = arith.index_cast %parallel_loop3A_110 : i32 to index
        %parallel_loop3A_122 = tpu.vector_load %arg6[%parallel_loop3A_120, %parallel_loop3A_121] {strides = array<i32>} : memref<2x8256xf32, #tpu.memory_space<vmem>>, vector<16xf32>,
        %parallel_loop3A_123 = arith.constant 1 : i32
        %parallel_loop3A_124 = arith.index_cast %parallel_loop3A_123 : i32 to index
        %parallel_loop3A_125 = arith.index_cast %parallel_loop3A_110 : i32 to index
        %parallel_loop3A_126 = tpu.vector_load %arg6[%parallel_loop3A_124, %parallel_loop3A_125] {strides = array<i32>} : memref<2x8256xf32, #tpu.memory_space<vmem>>, vector<16xf32>,
        %parallel_loop3A_127 = arith.constant 0 : i32
        %parallel_loop3A_128 = arith.constant 0 : i32
        %parallel_loop3A_129 = tpu.memref_slice %arg8[%parallel_loop3A_127, %parallel_loop3A_128] : memref<256x129xf32, #tpu.memory_space<vmem>> -> memref<128x129xf32, #tpu.memory_space<vmem>>
        tpu.vector_store_idx %parallel_loop3A_129[%parallel_loop3A_115, %parallel_loop3A_118], %parallel_loop3A_122 : memref<128x129xf32, #tpu.memory_space<vmem>>[vector<16xi32>, vector<16xi32>], vector<16xf32>,
        %parallel_loop3A_130 = arith.constant 0 : i32
        %parallel_loop3A_131 = arith.constant 0 : i32
        %parallel_loop3A_132 = tpu.memref_slice %arg8[%parallel_loop3A_130, %parallel_loop3A_131] : memref<256x129xf32, #tpu.memory_space<vmem>> -> memref<128x129xf32, #tpu.memory_space<vmem>>
        tpu.vector_store_idx %parallel_loop3A_132[%parallel_loop3A_118, %parallel_loop3A_115], %parallel_loop3A_122 : memref<128x129xf32, #tpu.memory_space<vmem>>[vector<16xi32>, vector<16xi32>], vector<16xf32>,
        %parallel_loop3A_133 = arith.constant 128 : i32
        %parallel_loop3A_134 = arith.constant 0 : i32
        %parallel_loop3A_135 = tpu.memref_slice %arg8[%parallel_loop3A_133, %parallel_loop3A_134] : memref<256x129xf32, #tpu.memory_space<vmem>> -> memref<128x129xf32, #tpu.memory_space<vmem>>
        tpu.vector_store_idx %parallel_loop3A_135[%parallel_loop3A_115, %parallel_loop3A_118], %parallel_loop3A_126 : memref<128x129xf32, #tpu.memory_space<vmem>>[vector<16xi32>, vector<16xi32>], vector<16xf32>,
        %parallel_loop3A_136 = arith.constant 128 : i32
        %parallel_loop3A_137 = arith.constant 0 : i32
        %parallel_loop3A_138 = tpu.memref_slice %arg8[%parallel_loop3A_136, %parallel_loop3A_137] : memref<256x129xf32, #tpu.memory_space<vmem>> -> memref<128x129xf32, #tpu.memory_space<vmem>>
        tpu.vector_store_idx %parallel_loop3A_138[%parallel_loop3A_118, %parallel_loop3A_115], %parallel_loop3A_126 : memref<128x129xf32, #tpu.memory_space<vmem>>[vector<16xi32>, vector<16xi32>], vector<16xf32>,
      } {sc.loop_unroll_factor = 8 : i64, sc.parallel_access}
      %mul3A_55 = arith.constant 2 : i32
      %mul3A_56 = arith.muli %add3A_40, %mul3A_55 : i32
      %add3A_57 = arith.addi %mul3A_2, %mul3A_56 : i32
      %mul3A_58 = arith.constant 128 : i32
      %mul3A_59 = arith.muli %add3A_57, %mul3A_58 : i32
      %dma_start3A_60 = arith.constant 0 : i32
      %dma_start3A_61 = arith.constant 0 : i32
      %dma_start3A_62 = tpu.memref_slice %arg8[%dma_start3A_60, %dma_start3A_61] : memref<256x129xf32, #tpu.memory_space<vmem>> -> memref<256x128xf32, #tpu.memory_space<vmem>>
      %dma_start3A_63 = arith.constant 0 : i32
      %dma_start3A_64 = tpu.memref_slice %arg4[%mul3A_59, %dma_start3A_63] : memref<524288x128xf32, #tpu.memory_space<hbm>> -> memref<256x128xf32, #tpu.memory_space<hbm>>
      %dma_start3A_65 = arith.constant 0 : i32
      %dma_start3A_66 = tpu.memref_slice %arg4[%mul3A_59, %dma_start3A_65] : memref<524288x128xf32, #tpu.memory_space<hbm>> -> memref<256x128xf32, #tpu.memory_space<hbm>>
      %dma_start3A_67 = arith.constant 0 : i32
      %dma_start3A_68 = arith.constant 0 : i32
      %dma_start3A_69 = tpu.memref_slice %arg8[%dma_start3A_67, %dma_start3A_68] : memref<256x129xf32, #tpu.memory_space<vmem>> -> memref<256x128xf32, #tpu.memory_space<vmem>>
      tpu.enqueue_dma source(%dma_start3A_69 : memref<256x128xf32, #tpu.memory_space<vmem>>) target(%dma_start3A_66 : memref<256x128xf32, #tpu.memory_space<hbm>>) target_semaphore(%arg12 : memref<!tpu.dma_semaphore, #tpu.memory_space<semaphore_mem>>)
      %mul3A_70 = arith.constant 2 : i32
      %mul3A_71 = arith.muli %scan3A_36, %mul3A_70 : i32
      %add3A_72 = arith.constant 1 : i32
      %add3A_73 = arith.addi %mul3A_71, %add3A_72 : i32
      %dma_wait3A_74 = arith.constant 0 : i32
      %dma_wait3A_75 = tpu.memref_slice %arg2[%mul3A_2, %dma_wait3A_74] : memref<4096x8256xf32, #tpu.memory_space<hbm>> -> memref<2x8256xf32, #tpu.memory_space<hbm>>
      %dma_wait3A_76 = arith.constant 0 : i32
      %dma_wait3A_77 = tpu.memref_slice %arg2[%mul3A_2, %dma_wait3A_76] : memref<4096x8256xf32, #tpu.memory_space<hbm>> -> memref<2x8256xf32, #tpu.memory_space<hbm>>
      tpu.wait_dma2 semaphore(%arg11 : memref<!tpu.dma_semaphore, #tpu.memory_space<semaphore_mem>>) src(%dma_wait3A_77 : memref<2x8256xf32, #tpu.memory_space<hbm>>) dst(%arg7 : memref<2x8256xf32, #tpu.memory_space<vmem>>)
      %add3A_78 = arith.constant 1 : i32
      %add3A_79 = arith.addi %add3A_73, %add3A_78 : i32
      %lt3A_80 = arith.constant 64 : i32
      %lt3A_81 = arith.cmpi slt, %add3A_79, %lt3A_80 : i32
      %convert_element_type3A_82 = arith.extui %lt3A_81 : i1 to i32
      %cond3A_83 = arith.constant 0 : i32
      %cond3A_84 = arith.cmpi ne, %convert_element_type3A_82, %cond3A_83 : i32
      scf.if %cond3A_84 {
        %add3A_108 = arith.constant 1 : i32
        %add3A_109 = arith.addi %add3A_73, %add3A_108 : i32
        %mul3A_110 = arith.constant 2 : i32
        %mul3A_111 = arith.muli %add3A_109, %mul3A_110 : i32
        %add3A_112 = arith.addi %mul3A_2, %mul3A_111 : i32
        %dma_start3A_113 = arith.constant 0 : i32
        %dma_start3A_114 = tpu.memref_slice %arg2[%add3A_112, %dma_start3A_113] : memref<4096x8256xf32, #tpu.memory_space<hbm>> -> memref<2x8256xf32, #tpu.memory_space<hbm>>
        %dma_start3A_115 = arith.constant 0 : i32
        %dma_start3A_116 = tpu.memref_slice %arg2[%add3A_112, %dma_start3A_115] : memref<4096x8256xf32, #tpu.memory_space<hbm>> -> memref<2x8256xf32, #tpu.memory_space<hbm>>
        tpu.enqueue_dma source(%dma_start3A_116 : memref<2x8256xf32, #tpu.memory_space<hbm>>) target(%arg6 : memref<2x8256xf32, #tpu.memory_space<vmem>>) target_semaphore(%arg10 : memref<!tpu.dma_semaphore, #tpu.memory_space<semaphore_mem>>)
      } else {
      }
      %ge3A_85 = arith.constant 2 : i32
      %ge3A_86 = arith.cmpi sge, %add3A_73, %ge3A_85 : i32
      %convert_element_type3A_87 = arith.extui %ge3A_86 : i1 to i32
      %cond3A_88 = arith.constant 0 : i32
      %cond3A_89 = arith.cmpi ne, %convert_element_type3A_87, %cond3A_88 : i32
      scf.if %cond3A_89 {
        %mul3A_108 = arith.constant 128 : i32
        %mul3A_109 = arith.muli %mul3A_2, %mul3A_108 : i32
        %dma_wait3A_110 = arith.constant 0 : i32
        %dma_wait3A_111 = arith.constant 0 : i32
        %dma_wait3A_112 = tpu.memref_slice %arg9[%dma_wait3A_110, %dma_wait3A_111] : memref<256x129xf32, #tpu.memory_space<vmem>> -> memref<256x128xf32, #tpu.memory_space<vmem>>
        %dma_wait3A_113 = arith.constant 0 : i32
        %dma_wait3A_114 = tpu.memref_slice %arg4[%mul3A_109, %dma_wait3A_113] : memref<524288x128xf32, #tpu.memory_space<hbm>> -> memref<256x128xf32, #tpu.memory_space<hbm>>
        %dma_wait3A_115 = arith.constant 0 : i32
        %dma_wait3A_116 = tpu.memref_slice %arg4[%mul3A_109, %dma_wait3A_115] : memref<524288x128xf32, #tpu.memory_space<hbm>> -> memref<256x128xf32, #tpu.memory_space<hbm>>
        %dma_wait3A_117 = arith.constant 0 : i32
        %dma_wait3A_118 = arith.constant 0 : i32
        %dma_wait3A_119 = tpu.memref_slice %arg9[%dma_wait3A_117, %dma_wait3A_118] : memref<256x129xf32, #tpu.memory_space<vmem>> -> memref<256x128xf32, #tpu.memory_space<vmem>>
        tpu.wait_dma2 semaphore(%arg13 : memref<!tpu.dma_semaphore, #tpu.memory_space<semaphore_mem>>) src(%dma_wait3A_119 : memref<256x128xf32, #tpu.memory_space<vmem>>) dst(%dma_wait3A_116 : memref<256x128xf32, #tpu.memory_space<hbm>>)
      } else {
      }
      %parallel_loop3A_90 = arith.constant 0 : i32
      %parallel_loop3A_91 = arith.constant 516 : i32
      %parallel_loop3A_92 = arith.constant 1 : i32
      scf.for %parallel_loop3A_108 = %parallel_loop3A_90 to %parallel_loop3A_91 step %parallel_loop3A_92  : i32 {
        %parallel_loop3A_109 = arith.constant 16 : i32
        %parallel_loop3A_110 = arith.muli %parallel_loop3A_108, %parallel_loop3A_109 : i32
        %parallel_loop3A_111 = arith.index_cast %parallel_loop3A_110 : i32 to index
        %parallel_loop3A_112 = tpu.vector_load %arg5[%parallel_loop3A_111] {strides = array<i32>} : memref<8256xi32, #tpu.memory_space<vmem>>, vector<16xi32>,
        %parallel_loop3A_113 = arith.constant 8 : i32
        %parallel_loop3A_114 = vector.broadcast %parallel_loop3A_113 : i32 to vector<16xi32>
        %parallel_loop3A_115 = arith.shrui %parallel_loop3A_112, %parallel_loop3A_114 : vector<16xi32>
        %parallel_loop3A_116 = arith.constant 255 : i32
        %parallel_loop3A_117 = vector.broadcast %parallel_loop3A_116 : i32 to vector<16xi32>
        %parallel_loop3A_118 = arith.andi %parallel_loop3A_112, %parallel_loop3A_117 : vector<16xi32>
        %parallel_loop3A_119 = arith.constant 0 : i32
        %parallel_loop3A_120 = arith.index_cast %parallel_loop3A_119 : i32 to index
        %parallel_loop3A_121 = arith.index_cast %parallel_loop3A_110 : i32 to index
        %parallel_loop3A_122 = tpu.vector_load %arg7[%parallel_loop3A_120, %parallel_loop3A_121] {strides = array<i32>} : memref<2x8256xf32, #tpu.memory_space<vmem>>, vector<16xf32>,
        %parallel_loop3A_123 = arith.constant 1 : i32
        %parallel_loop3A_124 = arith.index_cast %parallel_loop3A_123 : i32 to index
        %parallel_loop3A_125 = arith.index_cast %parallel_loop3A_110 : i32 to index
        %parallel_loop3A_126 = tpu.vector_load %arg7[%parallel_loop3A_124, %parallel_loop3A_125] {strides = array<i32>} : memref<2x8256xf32, #tpu.memory_space<vmem>>, vector<16xf32>,
        %parallel_loop3A_127 = arith.constant 0 : i32
        %parallel_loop3A_128 = arith.constant 0 : i32
        %parallel_loop3A_129 = tpu.memref_slice %arg9[%parallel_loop3A_127, %parallel_loop3A_128] : memref<256x129xf32, #tpu.memory_space<vmem>> -> memref<128x129xf32, #tpu.memory_space<vmem>>
        tpu.vector_store_idx %parallel_loop3A_129[%parallel_loop3A_115, %parallel_loop3A_118], %parallel_loop3A_122 : memref<128x129xf32, #tpu.memory_space<vmem>>[vector<16xi32>, vector<16xi32>], vector<16xf32>,
        %parallel_loop3A_130 = arith.constant 0 : i32
        %parallel_loop3A_131 = arith.constant 0 : i32
        %parallel_loop3A_132 = tpu.memref_slice %arg9[%parallel_loop3A_130, %parallel_loop3A_131] : memref<256x129xf32, #tpu.memory_space<vmem>> -> memref<128x129xf32, #tpu.memory_space<vmem>>
        tpu.vector_store_idx %parallel_loop3A_132[%parallel_loop3A_118, %parallel_loop3A_115], %parallel_loop3A_122 : memref<128x129xf32, #tpu.memory_space<vmem>>[vector<16xi32>, vector<16xi32>], vector<16xf32>,
        %parallel_loop3A_133 = arith.constant 128 : i32
        %parallel_loop3A_134 = arith.constant 0 : i32
        %parallel_loop3A_135 = tpu.memref_slice %arg9[%parallel_loop3A_133, %parallel_loop3A_134] : memref<256x129xf32, #tpu.memory_space<vmem>> -> memref<128x129xf32, #tpu.memory_space<vmem>>
        tpu.vector_store_idx %parallel_loop3A_135[%parallel_loop3A_115, %parallel_loop3A_118], %parallel_loop3A_126 : memref<128x129xf32, #tpu.memory_space<vmem>>[vector<16xi32>, vector<16xi32>], vector<16xf32>,
        %parallel_loop3A_136 = arith.constant 128 : i32
        %parallel_loop3A_137 = arith.constant 0 : i32
        %parallel_loop3A_138 = tpu.memref_slice %arg9[%parallel_loop3A_136, %parallel_loop3A_137] : memref<256x129xf32, #tpu.memory_space<vmem>> -> memref<128x129xf32, #tpu.memory_space<vmem>>
        tpu.vector_store_idx %parallel_loop3A_138[%parallel_loop3A_118, %parallel_loop3A_115], %parallel_loop3A_126 : memref<128x129xf32, #tpu.memory_space<vmem>>[vector<16xi32>, vector<16xi32>], vector<16xf32>,
      } {sc.loop_unroll_factor = 8 : i64, sc.parallel_access}
      %mul3A_93 = arith.constant 2 : i32
      %mul3A_94 = arith.muli %add3A_73, %mul3A_93 : i32
      %add3A_95 = arith.addi %mul3A_2, %mul3A_94 : i32
      %mul3A_96 = arith.constant 128 : i32
      %mul3A_97 = arith.muli %add3A_95, %mul3A_96 : i32
      %dma_start3A_98 = arith.constant 0 : i32
      %dma_start3A_99 = arith.constant 0 : i32
      %dma_start3A_100 = tpu.memref_slice %arg9[%dma_start3A_98, %dma_start3A_99] : memref<256x129xf32, #tpu.memory_space<vmem>> -> memref<256x128xf32, #tpu.memory_space<vmem>>
      %dma_start3A_101 = arith.constant 0 : i32
      %dma_start3A_102 = tpu.memref_slice %arg4[%mul3A_97, %dma_start3A_101] : memref<524288x128xf32, #tpu.memory_space<hbm>> -> memref<256x128xf32, #tpu.memory_space<hbm>>
      %dma_start3A_103 = arith.constant 0 : i32
      %dma_start3A_104 = tpu.memref_slice %arg4[%mul3A_97, %dma_start3A_103] : memref<524288x128xf32, #tpu.memory_space<hbm>> -> memref<256x128xf32, #tpu.memory_space<hbm>>
      %dma_start3A_105 = arith.constant 0 : i32
      %dma_start3A_106 = arith.constant 0 : i32
      %dma_start3A_107 = tpu.memref_slice %arg9[%dma_start3A_105, %dma_start3A_106] : memref<256x129xf32, #tpu.memory_space<vmem>> -> memref<256x128xf32, #tpu.memory_space<vmem>>
      tpu.enqueue_dma source(%dma_start3A_107 : memref<256x128xf32, #tpu.memory_space<vmem>>) target(%dma_start3A_104 : memref<256x128xf32, #tpu.memory_space<hbm>>) target_semaphore(%arg13 : memref<!tpu.dma_semaphore, #tpu.memory_space<semaphore_mem>>)
    }
    %scan3A_12 = arith.constant 32 : i32
    %mul3A_13 = arith.constant 128 : i32
    %mul3A_14 = arith.muli %mul3A_2, %mul3A_13 : i32
    %dma_wait3A = arith.constant 0 : i32
    %dma_wait3A_15 = arith.constant 0 : i32
    %dma_wait3A_16 = tpu.memref_slice %arg8[%dma_wait3A, %dma_wait3A_15] : memref<256x129xf32, #tpu.memory_space<vmem>> -> memref<256x128xf32, #tpu.memory_space<vmem>>
    %dma_wait3A_17 = arith.constant 0 : i32
    %dma_wait3A_18 = tpu.memref_slice %arg4[%mul3A_14, %dma_wait3A_17] : memref<524288x128xf32, #tpu.memory_space<hbm>> -> memref<256x128xf32, #tpu.memory_space<hbm>>
    %dma_wait3A_19 = arith.constant 0 : i32
    %dma_wait3A_20 = tpu.memref_slice %arg4[%mul3A_14, %dma_wait3A_19] : memref<524288x128xf32, #tpu.memory_space<hbm>> -> memref<256x128xf32, #tpu.memory_space<hbm>>
    %dma_wait3A_21 = arith.constant 0 : i32
    %dma_wait3A_22 = arith.constant 0 : i32
    %dma_wait3A_23 = tpu.memref_slice %arg8[%dma_wait3A_21, %dma_wait3A_22] : memref<256x129xf32, #tpu.memory_space<vmem>> -> memref<256x128xf32, #tpu.memory_space<vmem>>
    tpu.wait_dma2 semaphore(%arg12 : memref<!tpu.dma_semaphore, #tpu.memory_space<semaphore_mem>>) src(%dma_wait3A_23 : memref<256x128xf32, #tpu.memory_space<vmem>>) dst(%dma_wait3A_20 : memref<256x128xf32, #tpu.memory_space<hbm>>)
    %mul3A_24 = arith.constant 128 : i32
    %mul3A_25 = arith.muli %mul3A_2, %mul3A_24 : i32
    %dma_wait3A_26 = arith.constant 0 : i32
    %dma_wait3A_27 = arith.constant 0 : i32
    %dma_wait3A_28 = tpu.memref_slice %arg9[%dma_wait3A_26, %dma_wait3A_27] : memref<256x129xf32, #tpu.memory_space<vmem>> -> memref<256x128xf32, #tpu.memory_space<vmem>>
    %dma_wait3A_29 = arith.constant 0 : i32
    %dma_wait3A_30 = tpu.memref_slice %arg4[%mul3A_25, %dma_wait3A_29] : memref<524288x128xf32, #tpu.memory_space<hbm>> -> memref<256x128xf32, #tpu.memory_space<hbm>>
    %dma_wait3A_31 = arith.constant 0 : i32
    %dma_wait3A_32 = tpu.memref_slice %arg4[%mul3A_25, %dma_wait3A_31] : memref<524288x128xf32, #tpu.memory_space<hbm>> -> memref<256x128xf32, #tpu.memory_space<hbm>>
    %dma_wait3A_33 = arith.constant 0 : i32
    %dma_wait3A_34 = arith.constant 0 : i32
    %dma_wait3A_35 = tpu.memref_slice %arg9[%dma_wait3A_33, %dma_wait3A_34] : memref<256x129xf32, #tpu.memory_space<vmem>> -> memref<256x128xf32, #tpu.memory_space<vmem>>
    tpu.wait_dma2 semaphore(%arg13 : memref<!tpu.dma_semaphore, #tpu.memory_space<semaphore_mem>>) src(%dma_wait3A_35 : memref<256x128xf32, #tpu.memory_space<vmem>>) dst(%dma_wait3A_32 : memref<256x128xf32, #tpu.memory_space<hbm>>)
    return
  }
}

</mosaic_0001>

<sc_bundles>
// kernel: kernel.3.cloned.1.call-start
scs
__scs_entry_jumppad:
0x0: {  	(pc) =	sbr.rel $0x88, $3  }
0x1: {  	(tag) =	ssettag $0x0;
	lr =	simm.s32 $0x1  }
0x2: {  	[smem:$0x3FA0] =	sst lr;
	_ =	strace $0xD0000000  }
0x3: {  	_ = 	snop  }
0x4: {  	_ = 	snop  }
0x5: {  	_ = 	snop  }
0x6: {  	_ = 	snop  }
0x7: {  	_ = 	snop  }
__scs_overlays_trampoline_lowered:
0x8: {  	[smem:$0x3FAF] =	sst s0  }
0x9: {  	[smem:$0x3FB0] =	sst s1  }
0xa: {  	[smem:$0x3FB1] =	sst s2  }
0xb: {  	[smem:$0x3FB2] =	sst s3  }
0xc: {  	[smem:$0x3FB3] =	sst s4  }
0xd: {  	[smem:$0x3FB4] =	sst s5  }
0xe: {  	[smem:$0x3FB5] =	sst s6  }
0xf: {  	[smem:$0x3FB6] =	sst s7  }
0x10: {  	[smem:$0x3FB7] =	sst s8  }
0x11: {  	[smem:$0x3FB8] =	sst s9;
	s0 =	simm.s32 @!p0 $0x0  }
0x12: {  	s1 =	sld [smem:$0x3F9E];
	s0 =	simm.s32 @p0 $0x1  }
0x13: {  	[smem:$0x3FB9] =	sst s0;
	s0 =	simm.s32 @!p1 $0x0  }
0x14: {  	s2 =	sld [smem:$0x3F9D];
	s0 =	simm.s32 @p1 $0x1  }
0x15: {  	[smem:$0x3FBA] =	sst s0;
	s0 =	simm.s32 @!p2 $0x0  }
0x16: {  	s3 =	sld [smem:$0x3FDB];
	s0 =	simm.s32 @p2 $0x1  }
0x17: {  	s4 =	simm.s32 $0x1BF5;
	[smem:$0x3FBC] =	sst s0  }
0x18: {  	s0 =	sld [smem:$0x3F9F];
	_ =	swait.ge [sflag:s4], $0x0  }
0x19: {  	s7 =	sld [smem:$0x3FA0]  }
0x1a: {  	s8 =	sadd.s32 $0xFFFFE003, lr  }
0x1b: {  	s9 =	sadd.s32 $0xFFFFFEF7, lr;
	s5 =	simm.s32 $0xFFFFFFFF;
	p2 =	slt.u32 s8, $0xFFFFF086  }
0x1c: {  	p1 =	slt.u32 s9, $0xF7A;
	s5 =	simm.s32 @!p2 $0x0  }
0x1d: {  	s5 =	simm.s32 @p1 $0x1;
	p0 =	seq.s32 s7, s2  }
0x1e: {  	s7 =	smul.u32 @!p0 $0xF7A, s2;
	p2 =	seq.s32 @!p0 s5, $0x0  }
0x1f: {  	s9 =	smul.u32 $0xF7A, s1;
	s8 =	simm.s32 @!p0 $0x1BF5;
	p2 =	por !p2, p0  }
0x20: {  	[sflag:s8] =	ssyncset.s32 @!p0 $0xFFFFF086;
	s6 =	sadd.s32 @!p0 s3, s7;
	s7 =	simm.s32 @!p0 $0x108  }
0x21: {  	s3 =	sadd.s32 s3, s9;
	s6 =	sadd.s32 @!p0 $0x88, s6;
	s7 =	simm.s32 @p2 $0x1082  }
0x22: {  	[simem:s7], [sflag:s8] =	dma.local @!p0 [hbm:s6], $0xF7A  }
0x23: {  	s9 =	sor.u32 $0xD0000000, s2;
	s6 =	simm.s32 $0x108;
	_ =	swait.ge @!p0 [sflag:s8], $0x0  }
0x24: {  	s3 =	sadd.s32 $0x88, s3;
	s6 =	simm.s32 @!p1 $0x1082;
	[sflag:s4] =	ssyncset.s32 $0xFFFFF086  }
0x25: {  	[simem:s6], [sflag:s4] =	dma.local [hbm:s3], $0xF7A  }
0x26: {  	[smem:$0x3FA0] =	sst s1;
	(tag) =	ssettag s2;
	_ =	strace s9  }
0x27: {  	s1 =	sld [smem:$0x3FB0]  }
0x28: {  	s2 =	sld [smem:$0x3FB1]  }
0x29: {  	s4 =	sld [smem:$0x3FB3]  }
0x2a: {  	p0 =	seq.s32 s5, $0x0;
	s5 =	sld [smem:$0x3FB4]  }
0x2b: {  	s6 =	sld [smem:$0x3FB5]  }
0x2c: {  	s7 =	sld [smem:$0x3FB6]  }
0x2d: {  	s3 =	simm.s32 $0x108;
	s8 =	sld [smem:$0x3FB7]  }
0x2e: {  	s3 =	simm.s32 @!p0 $0x1082;
	s9 =	sld [smem:$0x3FB8]  }
0x2f: {  	lr =	sadd.s32 s0, s3;
	s0 =	sld [smem:$0x3FAF]  }
0x30: {  	s3 =	sld [smem:$0x3FB2]  }
0x31: {  	[smem:$0x3FBB] =	sst s10  }
0x32: {  	s10 =	sld [smem:$0x3FB9];
	_ =	sdelay $0x3  }
0x33: {  	p0 =	seq.s32 s10, $0x1;
	s10 =	sld [smem:$0x3FBB];
	_ =	sdelay $0x3  }
0x34: {  	[smem:$0x3FBB] =	sst s10  }
0x35: {  	s10 =	sld [smem:$0x3FBA];
	_ =	sdelay $0x3  }
0x36: {  	p1 =	seq.s32 s10, $0x1;
	s10 =	sld [smem:$0x3FBB];
	_ =	sdelay $0x3  }
0x37: {  	[smem:$0x3FBB] =	sst s10  }
0x38: {  	s10 =	sld [smem:$0x3FBC]  }
0x39: {  	_ = 	snop;
	(pc) =	sbr.ind lr, $3  }
0x3a: {  	_ = 	snop  }
0x3b: {  	_ = 	snop  }
0x3c: {  	p2 =	seq.s32 s10, $0x1;
	s10 =	sld [smem:$0x3FBB]  }
0x3d: {  	_ =	shalt  }
0x3e: {  	_ =	shalt  }
0x3f: {  	_ =	shalt  }
0x40: {  	_ =	shalt  }
0x41: {  	_ =	shalt  }
0x42: {  	_ =	shalt  }
0x43: {  	_ =	shalt  }
0x44: {  	_ =	shalt  }
0x45: {  	_ =	shalt  }
0x46: {  	_ =	shalt  }
0x47: {  	_ =	shalt  }
0x48: {  	_ =	shalt  }
0x49: {  	_ =	shalt  }
0x4a: {  	_ =	shalt  }
0x4b: {  	_ =	shalt  }
0x4c: {  	_ =	shalt  }
0x4d: {  	_ =	shalt  }
0x4e: {  	_ =	shalt  }
0x4f: {  	_ =	shalt  }
0x50: {  	_ =	shalt  }
0x51: {  	_ =	shalt  }
0x52: {  	_ =	shalt  }
0x53: {  	_ =	shalt  }
0x54: {  	_ =	shalt  }
0x55: {  	_ =	shalt  }
0x56: {  	_ =	shalt  }
0x57: {  	_ =	shalt  }
0x58: {  	_ =	shalt  }
0x59: {  	_ =	shalt  }
0x5a: {  	_ =	shalt  }
0x5b: {  	_ =	shalt  }
0x5c: {  	_ =	shalt  }
0x5d: {  	_ =	shalt  }
0x5e: {  	_ =	shalt  }
0x5f: {  	_ =	shalt  }
0x60: {  	_ =	shalt  }
0x61: {  	_ =	shalt  }
0x62: {  	_ =	shalt  }
0x63: {  	_ =	shalt  }
0x64: {  	_ =	shalt  }
0x65: {  	_ =	shalt  }
0x66: {  	_ =	shalt  }
0x67: {  	_ =	shalt  }
0x68: {  	_ =	shalt  }
0x69: {  	_ =	shalt  }
0x6a: {  	_ =	shalt  }
0x6b: {  	_ =	shalt  }
0x6c: {  	_ =	shalt  }
0x6d: {  	_ =	shalt  }
0x6e: {  	_ =	shalt  }
0x6f: {  	_ =	shalt  }
0x70: {  	_ =	shalt  }
0x71: {  	_ =	shalt  }
0x72: {  	_ =	shalt  }
0x73: {  	_ =	shalt  }
0x74: {  	_ =	shalt  }
0x75: {  	_ =	shalt  }
0x76: {  	_ =	shalt  }
0x77: {  	_ =	shalt  }
0x78: {  	_ =	shalt  }
0x79: {  	_ =	shalt  }
0x7a: {  	_ =	shalt  }
0x7b: {  	_ =	shalt  }
0x7c: {  	_ =	shalt  }
0x7d: {  	_ =	shalt  }
0x7e: {  	_ =	shalt  }
0x7f: {  	_ =	shalt  }
0x80: {  	_ =	shalt  }
0x81: {  	_ =	shalt  }
0x82: {  	_ =	shalt  }
0x83: {  	_ =	shalt  }
0x84: {  	_ =	shalt  }
0x85: {  	_ =	shalt  }
0x86: {  	_ =	shalt  }
0x87: {  	_ =	shalt  }
.Lfunc_end0:
.L_simem_size_0:
called_computation_lowered:
.L_overlay_start_0:
0x88: {  	s2 =	sld [smem:$0x3FD9]  }
0x89: {  	s3 =	sld [smem:$0x3FFE];
	_ =	sdelay $0x1  }
0x8a: {  	s1 =	srdreg.scid  }
0x8b: {  	s0 =	sand.u32 $0x1, s1  }
0x8c: {  	s17 =	sshll.u32 s0, $0xA;
	s2 =	sadd.s32 s3, s2  }
0x8d: {  	s2 =	sadd.s32 s2, s17  }
0x8e: {  	[smem:$0x3FC7] =	sst s2  }
0x8f: {  	_ = 	snop  }
0x90: {  	s2 =	sld [smem:$0x3FD0];
	(tm) =	ssettm $0x1  }
0x91: {  	s18 =	sld [smem:$0x3FFB];
	_ =	sdelay $0x3  }
0x92: {  	_ =	strace s18  }
0x93: {  	s3 =	sld [smem:$0x3FFC];
	_ =	sdelay $0x3  }
0x94: {  	_ =	strace s3  }
0x95: {  	s3 =	sld [smem:$0x3FFD];
	_ =	sdelay $0x3  }
0x96: {  	_ =	strace s3  }
0x97: {  	_ =	strace $0x8FFFFFFF  }
0x98: {  	s19 =	sld [smem:$0x3FDB];
	_ =	sdelay $0x1  }
0x99: {  	s4 =	simm.s32 $_scs_section_size  }
0x9a: {  	s5 =	simm.s32 $_size__tile_overlayer_lowered;
	s6 =	simm.s32 $_tile_overlayer_lowered  }
0x9b: {  	s22 =	simm.s32 $0x1BFF;
	s21 =	sshll.u32 s6, $0x1;
	s3 =	sadd.s32 s4, s19  }
0x9c: {  	s7 =	simm.s32 $0x0;
	s20 =	sshll.u32 s5, $0x1;
	s5 =	sadd.s32 s21, s3  }
0x9d: {  	[timem:s7], [sflag:s22] =	dma.local [hbm:s5], s20  }
0x9e: {  	_ =	swait.ge [sflag:s22], s20  }
0x9f: {  	s4 =	ssub.s32 $0x0, s20;
	[sflag:s22] =	ssyncset.done $0x0  }
0xa0: {  	[sflag:s22] =	ssyncadd.s32 s4;
	_ =	sdelay $0x1  }
0xa1: {  	s23 =	simm.s32 $0x1B8B  }
0xa2: {  	_ =	swait.ge [sflag:s23], $0x1  }
0xa3: {  	[sflag:s23] =	ssyncset.done $0x0  }
0xa4: {  	s25 =	simm.s32 $0x1B8E;
	s24 =	sld [smem:$0x3FFE];
	[sflag:s23] =	ssyncadd.s32 $0xFFFFFFFF  }
0xa5: {  	s26 =	simm.s32 $execute0_lowered;
	[smem:$0x3FD2] =	sst s25  }
0xa6: {  	s5 =	sshll.u32 s26, $0x1;
	_ =	strace $0x80000046;
	[dreg:$0x1] =	wrdreg $0xFFFFFFFF  }
0xa7: {  	s28 =	simm.s32 $_size_execute0_lowered;
	s3 =	sadd.s32 s3, s5;
	[dreg:$0x0] =	wrdreg $0x0  }
0xa8: {  	s5 =	sshll.u32 s28, $0x1;
	[dreg:$0x2] =	wrdreg s3  }
0xa9: {  	[dreg:$0x3] =	wrdreg s5  }
0xaa: {  	[dreg:$0x4] =	wrdreg $0xC0  }
0xab: {  	_ =	task [dreg:s7], $0x5FFFF  }
0xac: {  	[dreg:$0x1] =	wrdreg $0xFFFFFFFF  }
0xad: {  	[dreg:$0x0] =	wrdreg $0x60  }
0xae: {  	[dreg:$0x2] =	wrdreg s24  }
0xaf: {  	[dreg:$0x3] =	wrdreg s2  }
0xb0: {  	[dreg:$0x4] =	wrdreg $0x9  }
0xb1: {  	_ =	task.clear_ibuf [dreg:s7], $0x5FFFF;
	_ =	strace $0x90000046  }
0xb2: {  	s29 =	simm.s32 $0x9;
	_ =	strace $0x80000048  }
0xb3: {  	_ =	swait.ge [sflag:s29], $0x1  }
0xb4: {  	[sflag:s29] =	ssyncadd.s32 $0xFFFFFFFF  }
0xb5: {  	_ =	strace $0x90000048  }
0xb6: {  	_ =	sfence  }
0xb7: {  	s30 =	sld [smem:$0x0];
	_ =	sdelay $0x2  }
0xb8: {  	s31 =	sshll.u32 s1, $0xD;
	s1 =	sshrl.u32 s1, $0x2  }
0xb9: {  	s3 =	sand.u32 $0x4000, s31;
	s1 =	sadd.s32 s1, s30  }
0xba: {  	s0 =	sor.u32 s3, s0;
	s1 =	sshll.u32 s1, $0x11  }
0xbb: {  	s0 =	sor.u32 s1, s0  }
0xbc: {  	s0 =	sadd.s32 $0x8F2B, s0  }
0xbd: {  	[sflag:s0] =	ssyncadd.remote.s32 $0x1  }
0xbe: {  	_ =	sfence.sel $0xFFFF  }
0xbf: {  	[dreg:$0x0] =	wrdreg $0xFFFFFFFF;
	(pc) =	sbr.abs _section_cstart, $3  }
0xc0: {  	[dreg:$0x1] =	wrdreg $0xFFFFFFFF  }
0xc1: {  	_ =	task.clear_ibuf [dreg:s7], $0x2FFFF;
	_ =	strace $0x9FFFFFFF  }
0xc2: {  	(tm) =	ssettm $0x7FFFFFFF  }
0xc3: {  	_ =	shalt  }
tec
execute0_lowered:
.L_overlay_start_1:
0x0: {  	(tag) =	ssettag $0x1  }
0x1: {  	s5 =	rddreg [dreg:$0x0]  }
0x2: {  	s7 =	rddreg [dreg:$0x1];
	s2 =	srdreg.scid  }
0x3: {  	s0 =	rddreg [dreg:$0x2];
	s1 =	stileid.u32  }
0x4: {  	s10 =	simm.s32 $0x5;
	s11 =	simm.s32 $0x2040;
	s12 =	simm.s32 $0x1  }
0x5: {  	s13 =	simm.s32 $0x60C0;
	s14 =	simm.s32 $0xA140;
	s15 =	simm.s32 $0xE540  }
0x6: {  	s16 =	simm.s32 $0x2;
	s17 =	simm.s32 $0x12940;
	s18 =	simm.s32 $0x16D40  }
0x7: {  	s19 =	simm.s32 $0x3;
	s20 =	simm.s32 $0x4;
	s21 =	simm.s32 $0x0  }
0x8: {  	s4 =	sand.u32 $0x1, s2;
	s2 =	simm.s32 $0x0;
	s3 =	sshll.u32 s1, $0x8  }
0x9: {  	s6 =	sshll.u32 s4, $0x7;
	[smem:$0x7FF] =	sst s2;
	s30 =	ssub.s32 $0x2, s4  }
0xa: {  	s4 =	sadd.s32 $0x600, s5;
	s5 =	sadd.s32 $0x408600, s5;
	s3 =	sor.u32 s6, s3  }
0xb: {  	s9 =	sshrl.u32 s30, $0x1;
	s8 =	smul.u32 $0x408, s3;
	s31 =	sshll.u32 s3, $0xB  }
0xc: {  	_ =	strace $0x80000047;
	s9 =	ssub.s32 s30, s9;
	s7 =	sadd.s32 s7, s31  }
0xd: {  	s9 =	smax.u32 s9, $0x1;
	s6 =	sadd.s32 s4, s8;
	s8 =	sor.u32 $0x4, s3  }
.LBB2_1:
0xe: {  	[tilespmem:s2], [sflag:$0x5] =	stream.linear.gather [hbm4b:s5+s2], $0x2040, $0x38;
	[tilespmem:$0x1B140] =	vst v63  }
0xf: {  	_ =	swait.ge [sflag:s10], $0x2040  }
0x10: {  	[sflag:s10] =	ssyncset.done $0x0  }
0x11: {  	s22 =	simm.s32 $0x0;
	[sflag:s10] =	ssyncadd.s32 $0xFFFFDFC0  }
0x12: {  	[tilespmem:s11], [sflag:$0x1] =	stream.linear.gather [hbm4b:s6+s2], $0x4080, $0x38;
	[tilespmem:$0x1B140] =	vst v63  }
.LBB2_2:
0x13: {  	s23 =	sshllo.u32 s22, $0x1  }
0x14: {  	s24 =	sshll.u32 s23, $0x1  }
0x15: {  	s24 =	sadd.s32 s3, s24  }
0x16: {  	_ =	swait.ge [sflag:s12], $0x4080;
	s24 =	smul.u32 $0x408, s24  }
0x17: {  	[sflag:s12] =	ssyncset.done $0x0  }
0x18: {  	p0 =	seq.s32 s22, $0x0;
	[sflag:s12] =	ssyncadd.s32 $0xFFFFBF80;
	s24 =	sadd.s32 s4, s24  }
0x19: {  	[tilespmem:s13], [sflag:$0x2] =	stream.linear.gather [hbm4b:s24+s2], $0x4080, $0x38;
	[tilespmem:$0x1B140] =	vst v63  }
0x1a: {  	s24 =	simm.s32 @!p0 $0x3  }
0x1b: {  	_ =	swait.ge @!p0 [sflag:s24], $0x8000  }
0x1c: {  	[sflag:s24] =	ssyncset.done @!p0 $0x0  }
0x1d: {  	s30 =	simm.s32 $0x40;
	[sflag:s24] =	ssyncadd.s32 @!p0 $0xFFFF8000  }
0x1e: {  	v1 =	vld [tilespmem:s30+$0xFFFFFFC0]  }
0x1f: {  	v0 =	vld [tilespmem:s30+$0x10]  }
0x20: {  	v2 =	vld [tilespmem:s30+$0x30]  }
0x21: {  	v3 =	vld [tilespmem:s30+$0x20]  }
0x22: {  	v4 =	vld [tilespmem:s30+$0xFFFFFFE0]  }
0x23: {  	v7 =	vld [tilespmem:s30+$0xFFFFFFF0]  }
0x24: {  	s31 =	simm.s32 $0xC0;
	v12 =	vld [tilespmem:s30+$0x0]  }
0x25: {  	v36 =	vld [tilespmem:s31+$0x0];
	v5 =	vshrl.u32 v1, $0x8;
	v6 =	vand.u32 $0xF8, v1;
	v8 =	vshrl.u32 v0, $0x8  }
0x26: {  	v9 =	vand.u32 $0xFF, v0;
	v10 =	vand.u32 $0xFF, v1;
	v13 =	vshrl.u32 v2, $0x8  }
0x27: {  	v15 =	vand.u32 $0xFF, v3;
	v17 =	vand.u32 $0xF8, v2;
	v19 =	vand.u32 $0x7, v0  }
0x28: {  	v18 =	vand.u32 $0xFF, v2;
	v23 =	vand.u32 $0x7, v4;
	v2 =	vand.u32 $0x7, v2  }
0x29: {  	v22 =	vshrl.u32 v7, $0x8;
	v24 =	vshrl.u32 v12, $0x8;
	v26 =	vand.u32 $0xF8, v0  }
0x2a: {  	v16 =	vld [tilespmem:s30+$0xFFFFFFD0];
	v1 =	vand.u32 $0x7, v1;
	v46 =	vshrl.u32 v36, $0x8;
	v11 =	vmul.u32 $0x88, v5  }
0x2b: {  	v14 =	vand.u32 $0x7, v8;
	v20 =	vand.u32 $0xFFFFF8, v13;
	v18 =	vmul.u32 $0x88, v18  }
0x2c: {  	v9 =	vmul.u32 $0x88, v9;
	v21 =	vmul.u32 $0x88, v13;
	v25 =	vmul.u32 $0x88, v8  }
0x2d: {  	v8 =	vand.u32 $0xFFFFF8, v8;
	v27 =	vmul.u32 $0x88, v24;
	v10 =	vmul.u32 $0x88, v10  }
0x2e: {  	v18 =	vadd.s32 v20, v18;
	v20 =	vand.u32 $0xF8, v7;
	v0 =	vadd.s32 v17, v21  }
0x2f: {  	v17 =	vand.u32 $0xFF, v16;
	v21 =	vand.u32 $0x7, v12;
	v8 =	vadd.s32 v8, v9  }
0x30: {  	v6 =	vadd.s32 v6, v11;
	v11 =	vshrl.u32 v16, $0x8;
	v29 =	vor.u32 v2, v0  }
0x31: {  	v0 =	vand.u32 $0xFF, v12;
	v2 =	vand.u32 $0xF8, v12;
	v9 =	vor.u32 v14, v8  }
0x32: {  	v8 =	vand.u32 $0x7, v13;
	v12 =	vand.u32 $0xFF, v4;
	v14 =	vshrl.u32 v4, $0x8  }
0x33: {  	v17 =	vmul.u32 $0x88, v17;
	v2 =	vadd.s32 v2, v27;
	v0 =	vmul.u32 $0x88, v0  }
0x34: {  	v27 =	vand.u32 $0xF8, v3;
	v28 =	vmul.u32 $0x88, v14;
	v18 =	vor.u32 v8, v18  }
0x35: {  	v8 =	vand.u32 $0xFFFFF8, v11;
	v13 =	vor.u32 v21, v2;
	v2 =	vand.u32 $0xFFFFF8, v24  }
0x36: {  	v12 =	vmul.u32 $0x88, v12;
	v0 =	vadd.s32 v2, v0;
	v2 =	vand.u32 $0xFF, v7  }
0x37: {  	v21 =	vand.u32 $0x7, v24;
	v24 =	vand.u32 $0xFFFFF8, v22;
	v2 =	vmul.u32 $0x88, v2  }
0x38: {  	v8 =	vadd.s32 v8, v17;
	v17 =	vld [tilespmem:s31+$0x10];
	v7 =	vand.u32 $0x7, v7;
	v31 =	vor.u32 v21, v0  }
0x39: {  	v0 =	vand.u32 $0x7, v22;
	v21 =	vand.u32 $0x7, v3;
	v2 =	vadd.s32 v24, v2  }
0x3a: {  	v24 =	vshrl.u32 v3, $0x8;
	v3 =	vmul.u32 $0x88, v15;
	v15 =	vand.u32 $0xFFFFF8, v14  }
0x3b: {  	v14 =	vand.u32 $0x7, v14;
	v0 =	vor.u32 v0, v2;
	v2 =	vand.u32 $0xF8, v4  }
0x3c: {  	v4 =	vand.u32 $0x7, v24;
	v30 =	vand.u32 $0xFFFFF8, v24;
	v12 =	vadd.s32 v15, v12  }
0x3d: {  	s25 =	simm.s32 $0x4080;
	v15 =	vadd.s32 v26, v25;
	v45 =	vand.u32 $0x7, v17;
	v49 =	vand.u32 $0xF8, v17  }
0x3e: {  	v33 =	vld [tilespmem:s25+$0xFFFFE030];
	v2 =	vadd.s32 v2, v28;
	v28 =	vmul.u32 $0x88, v22;
	v3 =	vadd.s32 v30, v3  }
0x3f: {  	v25 =	vld [tilespmem:s31+$0x30];
	v15 =	vor.u32 v19, v15;
	v19 =	vor.u32 v1, v6;
	v6 =	vand.u32 $0x7, v5  }
0x40: {  	v26 =	vld [tilespmem:s31+$0xFFFFFFE0];
	v5 =	vand.u32 $0xFFFFF8, v5;
	v35 =	vor.u32 v23, v2;
	v23 =	vor.u32 v14, v12  }
0x41: {  	v22 =	vld [tilespmem:s25+$0x70];
	v2 =	vmul.u32 $0x88, v24;
	v14 =	vmul.u32 $0x88, v11;
	v1 =	vor.u32 v4, v3  }
0x42: {  	v12 =	vld [tilespmem:s25+$0xFFFFE000];
	v4 =	vadd.s32 v5, v10;
	v5 =	vand.u32 $0xF8, v16;
	v20 =	vadd.s32 v20, v28  }
0x43: {  	v10 =	vld [tilespmem:s25+$0xFFFFE010];
	v30 =	vadd.s32 v27, v2;
	v2 =	vand.u32 $0x7, v11;
	v14 =	vadd.s32 v5, v14  }
0x44: {  	v51 =	vld [tilespmem:s25+$0xFFFFDFE0];
	[tilespmem:v29+s14+$0x0] =	vst.idx.msk $0xffff, v33;
	v7 =	vor.u32 v7, v20;
	v20 =	vor.u32 v6, v4;
	v6 =	vshrl.u32 v17, $0x8  }
0x45: {  	v32 =	vld [tilespmem:s25+$0x40];
	[tilespmem:v18+s14+$0x0] =	vst.idx.msk $0xffff, v33;
	v27 =	vand.u32 $0xFF, v17;
	v17 =	vmul.u32 $0x88, v46;
	v3 =	vor.u32 v2, v8  }
0x46: {  	v28 =	vld [tilespmem:s31+$0xFFFFFFC0];
	v8 =	vand.u32 $0x7, v16;
	v37 =	vshrl.u32 v25, $0x8;
	v39 =	vand.u32 $0xF8, v25;
	[tilespmem:v29+s15+$0x0] =	vst.idx.msk $0xffff, v22  }
0x47: {  	v55 =	vld [tilespmem:s25+$0x20];
	v40 =	vand.u32 $0xFF, v25;
	v42 =	vand.u32 $0x7, v26;
	v25 =	vand.u32 $0x7, v25;
	[tilespmem:v13+s14+$0x0] =	vst.idx.msk $0xffff, v12  }
0x48: {  	v24 =	vld [tilespmem:s25+$0x50];
	v47 =	vmul.u32 $0x88, v6;
	v53 =	vshrl.u32 v26, $0x8;
	v59 =	vand.u32 $0xF8, v26;
	[tilespmem:v15+s14+$0x0] =	vst.idx.msk $0xffff, v10  }
0x49: {  	v11 =	vld [tilespmem:s31+$0x20];
	v14 =	vor.u32 v8, v14;
	v41 =	vand.u32 $0xFFFFF8, v37;
	v40 =	vmul.u32 $0x88, v40;
	[tilespmem:v35+s14+$0x0] =	vst.idx.msk $0xffff, v51  }
0x4a: {  	v2 =	vld [tilespmem:s31+$0xFFFFFFF0];
	v29 =	vand.u32 $0x7, v37;
	v56 =	vmul.u32 $0x88, v53;
	v62 =	vand.u32 $0xFFFFF8, v53;
	[tilespmem:v31+s14+$0x0] =	vst.idx.msk $0xffff, v12  }
0x4b: {  	v4 =	vld [tilespmem:s31+$0xFFFFFFD0];
	v50 =	vand.u32 $0x7, v53;
	v5 =	vshrl.u32 v28, $0x8;
	v16 =	vand.u32 $0xF8, v28;
	[tilespmem:v9+s14+$0x0] =	vst.idx.msk $0xffff, v10  }
0x4c: {  	v8 =	vand.u32 $0xFF, v28;
	v12 =	vand.u32 $0x7, v6;
	v10 =	vmul.u32 $0x88, v27;
	[tilespmem:v23+s14+$0x0] =	vst.idx.msk $0xffff, v51  }
0x4d: {  	v27 =	vmul.u32 $0x88, v37;
	v40 =	vadd.s32 v41, v40;
	v6 =	vand.u32 $0xFFFFF8, v6;
	[tilespmem:v13+s15+$0x0] =	vst.idx.msk $0xffff, v32  }
0x4e: {  	v61 =	vadd.s32 v59, v56;
	v34 =	vmul.u32 $0x88, v5;
	v38 =	vand.u32 $0xFF, v11;
	[tilespmem:v15+s15+$0x0] =	vst.idx.msk $0xffff, v24  }
0x4f: {  	v43 =	vld [tilespmem:s25+$0xFFFFDFC0];
	v15 =	vand.u32 $0x7, v36;
	v58 =	vshrl.u32 v11, $0x8;
	[tilespmem:v35+s15+$0x0] =	vst.idx.msk $0xffff, v55;
	v44 =	vshrl.u32 v2, $0x8  }
0x50: {  	v48 =	vand.u32 $0xF8, v2;
	v13 =	vadd.s32 v39, v27;
	[tilespmem:v9+s15+$0x0] =	vst.idx.msk $0xffff, v24;
	v24 =	vand.u32 $0xFF, v4  }
0x51: {  	v57 =	vld [tilespmem:s25+$0xFFFFDFF0];
	v9 =	vadd.s32 v6, v10;
	v10 =	vand.u32 $0xFF, v36;
	[tilespmem:v31+s15+$0x0] =	vst.idx.msk $0xffff, v32;
	v31 =	vand.u32 $0xFF, v26  }
0x52: {  	v60 =	vand.u32 $0xFFFFF8, v58;
	v39 =	vmul.u32 $0x88, v58;
	[tilespmem:v23+s15+$0x0] =	vst.idx.msk $0xffff, v55;
	v23 =	vadd.s32 v49, v47  }
0x53: {  	[tilespmem:v18+s15+$0x0] =	vst.idx.msk $0xffff, v22;
	v27 =	vld [tilespmem:s25+$0x0];
	v6 =	vor.u32 v25, v13;
	v13 =	vand.u32 $0xF8, v36;
	v9 =	vor.u32 v12, v9  }
0x54: {  	v52 =	vld [tilespmem:s25+$0xFFFFDFD0];
	[tilespmem:v19+s14+$0x0] =	vst.idx.msk $0xffff, v43;
	v10 =	vmul.u32 $0x88, v10;
	v54 =	vand.u32 $0xFFFFF8, v44;
	v34 =	vadd.s32 v16, v34  }
0x55: {  	v35 =	vld [tilespmem:s25+$0x60];
	[tilespmem:v20+s14+$0x0] =	vst.idx.msk $0xffff, v43;
	v16 =	vand.u32 $0x7, v44;
	v32 =	vmul.u32 $0x88, v24;
	v31 =	vmul.u32 $0x88, v31  }
0x56: {  	s24 =	simm.s32 $0x4100;
	v24 =	vand.u32 $0x7, v11;
	v36 =	vld [tilespmem:s25+$0x30];
	[tilespmem:v7+s14+$0x0] =	vst.idx.msk $0xffff, v57;
	v12 =	vadd.s32 v13, v17;
	v17 =	vand.u32 $0xF8, v11  }
0x57: {  	v26 =	vld [tilespmem:s24+$0x70];
	v11 =	vmul.u32 $0x88, v38;
	[tilespmem:v0+s14+$0x0] =	vst.idx.msk $0xffff, v57;
	v13 =	vor.u32 v15, v12;
	v12 =	vand.u32 $0xFFFFF8, v46  }
0x58: {  	v15 =	vand.u32 $0x7, v46;
	v10 =	vadd.s32 v12, v10;
	v12 =	vand.u32 $0xFF, v2;
	[tilespmem:v19+s15+$0x0] =	vst.idx.msk $0xffff, v27;
	v19 =	vld [tilespmem:s25+$0x10]  }
0x59: {  	v63 =	vmul.u32 $0x88, v44;
	[tilespmem:v20+s15+$0x0] =	vst.idx.msk $0xffff, v27;
	v27 =	vmul.u32 $0x88, v12;
	v12 =	vor.u32 v15, v10;
	v15 =	vld [tilespmem:s24+$0xFFFFE030]  }
0x5a: {  	v44 =	vld [tilespmem:s24+$0xFFFFE000];
	v38 =	vor.u32 v45, v23;
	v31 =	vadd.s32 v62, v31;
	v37 =	vadd.s32 v60, v11  }
0x5b: {  	v25 =	vshrl.u32 v4, $0x8;
	v43 =	vld [tilespmem:s25+$0xFFFFE020];
	v11 =	vor.u32 v50, v31;
	[tilespmem:v14+s14+$0x0] =	vst.idx.msk $0xffff, v52;
	v27 =	vadd.s32 v54, v27  }
0x5c: {  	v41 =	vmul.u32 $0x88, v25;
	v31 =	vld [tilespmem:s24+$0x50];
	v20 =	vor.u32 v29, v40;
	[tilespmem:v3+s14+$0x0] =	vst.idx.msk $0xffff, v52;
	v16 =	vor.u32 v16, v27  }
0x5d: {  	v29 =	vand.u32 $0xFFFFF8, v25;
	v10 =	vld [tilespmem:s24+$0x40];
	[tilespmem:v14+s15+$0x0] =	vst.idx.msk $0xffff, v19;
	v14 =	vor.u32 v42, v61;
	v42 =	vor.u32 v21, v30  }
0x5e: {  	s26 =	simm.s32 $0x8;
	s28 =	simm.s32 $0x140;
	s25 =	simm.s32 $0x4100;
	v40 =	vld [tilespmem:s24+$0xFFFFE010];
	v27 =	vand.u32 $0x7, v58;
	v30 =	vand.u32 $0x7, v28;
	v28 =	vadd.s32 v48, v63;
	[tilespmem:v6+s14+$0x0] =	vst.idx.msk $0xffff, v15  }
.LBB2_3:
0x5f: {  	v18 =	vld [tilespmem:s28+$0xFFFFFFC0];
	s26 =	sadd.s32 $0x8, s26;
	v34 =	vor.u32 v30, v34;
	v33 =	vand.u32 $0x7, v5;
	v29 =	vadd.s32 v29, v32;
	s24 =	sadd.s32 $0x80, s24;
	[tilespmem:v7+s15+$0x0] =	vst.idx.msk $0xffff, v36  }
0x60: {  	v7 =	vmul.u32 $0x88, v8;
	v5 =	vand.u32 $0xFFFFF8, v5;
	v22 =	vadd.s32 v17, v39;
	v21 =	vmovc v20;
	v32 =	vld [tilespmem:s28+$0x10];
	p0 =	slt.u32 s26, $0x1F8;
	[tilespmem:v13+s14+$0x0] =	vst.idx.msk $0xffff, v44  }
0x61: {  	v8 =	vand.u32 $0x7, v25;
	v2 =	vand.u32 $0x7, v2;
	v20 =	vor.u32 v27, v37;
	v23 =	vmovc v26;
	v17 =	vld [tilespmem:s28+$0x30];
	[tilespmem:v12+s14+$0x0] =	vst.idx.msk $0xffff, v44  }
0x62: {  	v8 =	vor.u32 v8, v29;
	v25 =	vadd.s32 v5, v7;
	v5 =	vand.u32 $0xF8, v4;
	v30 =	vld [tilespmem:s28+$0x20];
	[tilespmem:v42+s14+$0x0] =	vst.idx.msk $0xffff, v43  }
0x63: {  	v27 =	vand.u32 $0x7, v4;
	v7 =	vor.u32 v2, v28;
	v29 =	vadd.s32 v5, v41;
	v26 =	vld [tilespmem:s28+$0xFFFFFFE0];
	[tilespmem:v1+s14+$0x0] =	vst.idx.msk $0xffff, v43  }
0x64: {  	v25 =	vor.u32 v33, v25;
	v5 =	vshrl.u32 v18, $0x8;
	v37 =	vand.u32 $0xF8, v18;
	v4 =	vld [tilespmem:s28+$0xFFFFFFD0];
	[tilespmem:v3+s15+$0x0] =	vst.idx.msk $0xffff, v19;
	v3 =	vmovc v8  }
0x65: {  	v28 =	vmovc v24;
	v41 =	vor.u32 v27, v29;
	v2 =	vld [tilespmem:s28+$0xFFFFFFF0];
	v19 =	vshrl.u32 v32, $0x8;
	v39 =	vand.u32 $0xFF, v32;
	[tilespmem:v42+s15+$0x0] =	vst.idx.msk $0xffff, v35  }
0x66: {  	v8 =	vand.u32 $0xFF, v18;
	v24 =	vmul.u32 $0x88, v5;
	v27 =	vld [tilespmem:s28+$0x0];
	v29 =	vshrl.u32 v17, $0x8;
	[tilespmem:v1+s15+$0x0] =	vst.idx.msk $0xffff, v35;
	v1 =	vmovc v20  }
0x67: {  	v35 =	vand.u32 $0x7, v19;
	v43 =	vand.u32 $0xF8, v17;
	v20 =	vld [tilespmem:s24+$0x40];
	v42 =	vand.u32 $0xFF, v30;
	[tilespmem:v0+s15+$0x0] =	vst.idx.msk $0xffff, v36;
	v0 =	vmovc v16  }
0x68: {  	v33 =	vand.u32 $0x7, v32;
	v16 =	vand.u32 $0xFF, v17;
	v36 =	vand.u32 $0xFFFFF8, v29;
	[tilespmem:v38+s14+$0x0] =	vst.idx.msk $0xffff, v40  }
0x69: {  	v17 =	vand.u32 $0x7, v17;
	v45 =	vand.u32 $0x7, v26;
	v16 =	vmul.u32 $0x88, v16;
	v44 =	vld [tilespmem:s25+$0xFFFFDFC0];
	[tilespmem:v9+s14+$0x0] =	vst.idx.msk $0xffff, v40  }
0x6a: {  	v39 =	vmul.u32 $0x88, v39;
	v46 =	vmul.u32 $0x88, v29;
	v40 =	vshrl.u32 v2, $0x8;
	[tilespmem:v13+s15+$0x0] =	vst.idx.msk $0xffff, v10  }
0x6b: {  	v48 =	vmul.u32 $0x88, v19;
	v16 =	vadd.s32 v36, v16;
	v47 =	vshrl.u32 v27, $0x8;
	[tilespmem:v38+s15+$0x0] =	vst.idx.msk $0xffff, v31  }
0x6c: {  	v49 =	vand.u32 $0xF8, v32;
	v13 =	vadd.s32 v43, v46;
	v38 =	vand.u32 $0xF8, v2;
	[tilespmem:v9+s15+$0x0] =	vst.idx.msk $0xffff, v31  }
0x6d: {  	v32 =	vand.u32 $0x7, v27;
	v31 =	vand.u32 $0xFF, v4;
	v9 =	vand.u32 $0xFFFFF8, v19;
	v36 =	vld [tilespmem:s25+$0x0];
	[tilespmem:v21+s14+$0x0] =	vst.idx.msk $0xffff, v15  }
0x6e: {  	v13 =	vor.u32 v17, v13;
	v15 =	vmul.u32 $0x88, v47;
	v9 =	vadd.s32 v9, v39;
	[tilespmem:v34+s14+$0x0] =	vst.idx.msk $0xffff, v44  }
0x6f: {  	v17 =	vand.u32 $0xFF, v27;
	v19 =	vand.u32 $0xF8, v27;
	v9 =	vor.u32 v35, v9;
	v27 =	vld [tilespmem:s25+$0xFFFFDFE0];
	[tilespmem:v6+s15+$0x0] =	vst.idx.msk $0xffff, v23;
	v6 =	vmovc v13  }
0x70: {  	v29 =	vand.u32 $0x7, v29;
	v13 =	vadd.s32 v19, v15;
	v15 =	vmul.u32 $0x88, v17;
	v35 =	vld [tilespmem:s25+$0xFFFFDFD0];
	[tilespmem:v12+s15+$0x0] =	vst.idx.msk $0xffff, v10;
	v10 =	vmovc v20  }
0x71: {  	v39 =	vand.u32 $0xFF, v26;
	v13 =	vor.u32 v32, v13;
	v12 =	vand.u32 $0xFFFFF8, v47;
	[tilespmem:v25+s14+$0x0] =	vst.idx.msk $0xffff, v44  }
0x72: {  	v43 =	vshrl.u32 v26, $0x8;
	v20 =	vand.u32 $0x7, v47;
	v12 =	vadd.s32 v12, v15;
	[tilespmem:v34+s15+$0x0] =	vst.idx.msk $0xffff, v36;
	v19 =	vld [tilespmem:s25+$0x10]  }
0x73: {  	v17 =	vand.u32 $0xF8, v30;
	v32 =	vand.u32 $0xFFFFF8, v40;
	v15 =	vand.u32 $0xFF, v2;
	[tilespmem:v25+s15+$0x0] =	vst.idx.msk $0xffff, v36;
	v46 =	vld [tilespmem:s25+$0x20]  }
0x74: {  	v44 =	vmul.u32 $0x88, v15;
	v12 =	vor.u32 v20, v12;
	v36 =	vmul.u32 $0x88, v43;
	v15 =	vld [tilespmem:s24+$0xFFFFE030];
	[tilespmem:v14+s14+$0x0] =	vst.idx.msk $0xffff, v27  }
0x75: {  	v34 =	vadd.s32 v37, v24;
	v20 =	vor.u32 v29, v16;
	v25 =	vshrl.u32 v4, $0x8;
	[tilespmem:v41+s14+$0x0] =	vst.idx.msk $0xffff, v35  }
0x76: {  	v16 =	vand.u32 $0x7, v40;
	v29 =	vand.u32 $0xFFFFF8, v25;
	v24 =	vadd.s32 v32, v44;
	[tilespmem:v11+s14+$0x0] =	vst.idx.msk $0xffff, v27;
	v47 =	vld [tilespmem:s25+$0xFFFFDFF0]  }
0x77: {  	v32 =	vmul.u32 $0x88, v31;
	v31 =	vshrl.u32 v30, $0x8;
	v16 =	vor.u32 v16, v24;
	[tilespmem:v3+s14+$0x0] =	vst.idx.msk $0xffff, v35  }
0x78: {  	v37 =	vand.u32 $0xF8, v26;
	v50 =	vand.u32 $0xFFFFF8, v31;
	v27 =	vand.u32 $0x7, v31;
	v26 =	vld [tilespmem:s24+$0x70];
	[tilespmem:v14+s15+$0x0] =	vst.idx.msk $0xffff, v46  }
0x79: {  	v24 =	vand.u32 $0x7, v30;
	v30 =	vmul.u32 $0x88, v42;
	v14 =	vmul.u32 $0x88, v39;
	[tilespmem:v6+s14+$0x0] =	vst.idx.msk $0xffff, v15;
	v35 =	vld [tilespmem:s25+$0x60]  }
.Ltmp0:
0x7a: {  	v40 =	vmul.u32 $0x88, v40;
	v39 =	vadd.s32 v37, v36;
	v37 =	vand.u32 $0xFFFFF8, v43;
	[tilespmem:v41+s15+$0x0] =	vst.idx.msk $0xffff, v19;
	v36 =	vld [tilespmem:s25+$0x30];
	(pc) =	sbr.rel @p0 .LBB2_3-.Ltmp0, $4  }
0x7b: {  	v41 =	vand.u32 $0x7, v43;
	v42 =	vadd.s32 v37, v14;
	v37 =	vadd.s32 v50, v30;
	v44 =	vld [tilespmem:s24+$0xFFFFE000];
	[tilespmem:v7+s14+$0x0] =	vst.idx.msk $0xffff, v47  }
0x7c: {  	v14 =	vor.u32 v45, v39;
	v39 =	vmul.u32 $0x88, v31;
	[tilespmem:v11+s15+$0x0] =	vst.idx.msk $0xffff, v46;
	v11 =	vor.u32 v41, v42;
	v43 =	vld [tilespmem:s25+$0xFFFFE020];
	s25 =	smov.u32 s24  }
0x7d: {  	v45 =	vadd.s32 v49, v48;
	v41 =	vmul.u32 $0x88, v25;
	v42 =	vor.u32 v28, v22;
	v31 =	vld [tilespmem:s24+$0x50];
	[tilespmem:v0+s14+$0x0] =	vst.idx.msk $0xffff, v47  }
0x7e: {  	s28 =	sadd.s32 $0x80, s28;
	v30 =	vand.u32 $0x7, v18;
	v28 =	vadd.s32 v38, v40;
	v38 =	vor.u32 v33, v45;
	v40 =	vld [tilespmem:s24+$0xFFFFE010];
	[tilespmem:v21+s15+$0x0] =	vst.idx.msk $0xffff, v23  }
0x7f: {  	_ =	sdelay $0x3  }
0x80: {  	[tilespmem:v7+s15+$0x0] =	vst.idx.msk $0xffff, v36  }
0x81: {  	[tilespmem:v3+s15+$0x0] =	vst.idx.msk $0xffff, v19  }
0x82: {  	[tilespmem:v20+s14+$0x0] =	vst.idx.msk $0xffff, v15  }
0x83: {  	[tilespmem:v13+s14+$0x0] =	vst.idx.msk $0xffff, v44  }
0x84: {  	[tilespmem:v0+s15+$0x0] =	vst.idx.msk $0xffff, v36  }
0x85: {  	[tilespmem:v6+s15+$0x0] =	vst.idx.msk $0xffff, v26  }
0x86: {  	[tilespmem:v12+s14+$0x0] =	vst.idx.msk $0xffff, v44  }
0x87: {  	[tilespmem:v42+s14+$0x0] =	vst.idx.msk $0xffff, v43  }
0x88: {  	[tilespmem:v20+s15+$0x0] =	vst.idx.msk $0xffff, v26  }
0x89: {  	[tilespmem:v1+s14+$0x0] =	vst.idx.msk $0xffff, v43  }
0x8a: {  	[tilespmem:v13+s15+$0x0] =	vst.idx.msk $0xffff, v10  }
0x8b: {  	v50 =	vld [tilespmem:s25+$0xFFFFDFE0];
	[tilespmem:v42+s15+$0x0] =	vst.idx.msk $0xffff, v35  }
0x8c: {  	[tilespmem:v38+s14+$0x0] =	vst.idx.msk $0xffff, v40  }
0x8d: {  	v59 =	vadd.s32 v17, v39;
	[tilespmem:v12+s15+$0x0] =	vst.idx.msk $0xffff, v10  }
0x8e: {  	v48 =	vand.u32 $0xF8, v4;
	v61 =	vld [tilespmem:s25+$0xFFFFE020];
	v6 =	vor.u32 v24, v59;
	[tilespmem:v1+s15+$0x0] =	vst.idx.msk $0xffff, v35  }
0x8f: {  	v49 =	vand.u32 $0x7, v4;
	v51 =	vld [tilespmem:s25+$0xFFFFDFD0];
	v7 =	vadd.s32 v48, v41;
	[tilespmem:v9+s14+$0x0] =	vst.idx.msk $0xffff, v40  }
0x90: {  	v55 =	vld [tilespmem:s25+$0x20];
	v4 =	vor.u32 v49, v7;
	[tilespmem:v14+s14+$0x0] =	vst.idx.msk $0xffff, v50  }
0x91: {  	[tilespmem:v38+s15+$0x0] =	vst.idx.msk $0xffff, v31  }
0x92: {  	v52 =	vadd.s32 v29, v32;
	v53 =	vand.u32 $0x7, v25;
	v62 =	vor.u32 v27, v37;
	[tilespmem:v11+s14+$0x0] =	vst.idx.msk $0xffff, v50  }
0x93: {  	v63 =	vld [tilespmem:s25+$0x60];
	v54 =	vor.u32 v53, v52;
	v43 =	vmul.u32 $0x88, v8;
	[tilespmem:v6+s14+$0x0] =	vst.idx.msk $0xffff, v61  }
0x94: {  	v45 =	vand.u32 $0xFFFFF8, v5;
	v57 =	vld [tilespmem:s25+$0x10];
	[tilespmem:v9+s15+$0x0] =	vst.idx.msk $0xffff, v31  }
0x95: {  	v46 =	vand.u32 $0x7, v5;
	v44 =	vld [tilespmem:s25+$0xFFFFDFC0];
	v42 =	vor.u32 v30, v34;
	v1 =	vadd.s32 v45, v43;
	[tilespmem:v4+s14+$0x0] =	vst.idx.msk $0xffff, v51  }
0x96: {  	v1 =	vor.u32 v46, v1;
	[tilespmem:v14+s15+$0x0] =	vst.idx.msk $0xffff, v55  }
0x97: {  	v47 =	vld [tilespmem:s25+$0x0];
	[tilespmem:v62+s14+$0x0] =	vst.idx.msk $0xffff, v61  }
0x98: {  	[tilespmem:v54+s14+$0x0] =	vst.idx.msk $0xffff, v51  }
0x99: {  	[tilespmem:v11+s15+$0x0] =	vst.idx.msk $0xffff, v55  }
0x9a: {  	[tilespmem:v42+s14+$0x0] =	vst.idx.msk $0xffff, v44  }
0x9b: {  	[tilespmem:v1+s14+$0x0] =	vst.idx.msk $0xffff, v44  }
0x9c: {  	v56 =	vand.u32 $0x7, v2;
	[tilespmem:v42+s15+$0x0] =	vst.idx.msk $0xffff, v47  }
0x9d: {  	v58 =	vld [tilespmem:s25+$0xFFFFDFF0];
	[tilespmem:v1+s15+$0x0] =	vst.idx.msk $0xffff, v47;
	v1 =	vor.u32 v56, v28  }
0x9e: {  	[tilespmem:v6+s15+$0x0] =	vst.idx.msk $0xffff, v63  }
0x9f: {  	v60 =	vld [tilespmem:s25+$0x30];
	[tilespmem:v4+s15+$0x0] =	vst.idx.msk $0xffff, v57  }
0xa0: {  	[tilespmem:v62+s15+$0x0] =	vst.idx.msk $0xffff, v63  }
0xa1: {  	[tilespmem:v54+s15+$0x0] =	vst.idx.msk $0xffff, v57  }
0xa2: {  	[tilespmem:v1+s14+$0x0] =	vst.idx.msk $0xffff, v58  }
0xa3: {  	[tilespmem:v16+s14+$0x0] =	vst.idx.msk $0xffff, v58  }
0xa4: {  	[tilespmem:v1+s15+$0x0] =	vst.idx.msk $0xffff, v60  }
0xa5: {  	s24 =	simm.s32 $0x0;
	[tilespmem:v16+s15+$0x0] =	vst.idx.msk $0xffff, v60  }
.LBB2_5:
0xa6: {  	s25 =	sshra.s32 s24, $0x2  }
0xa7: {  	v0 =	vld [tilespmem:s25+$0x2000];
	_ =	sdelay $0x4  }
0xa8: {  	v1 =	vshrl.u32 v0, $0x8  }
0xa9: {  	v2 =	vand.u32 $0xFF, v0;
	v3 =	vmul.u32 $0x88, v1  }
0xaa: {  	v4 =	vand.u32 $0xF8, v0;
	v2 =	vmul.u32 $0x88, v2  }
0xab: {  	v0 =	vand.u32 $0x7, v0;
	v62 =	vand.u32 $0xFFFFF8, v1;
	v3 =	vadd.s32 v4, v3  }
0xac: {  	v5 =	vld [tilespmem:s25+$0x4040];
	v1 =	vand.u32 $0x7, v1;
	v2 =	vadd.s32 v62, v2;
	v0 =	vor.u32 v0, v3  }
0xad: {  	v1 =	vor.u32 v1, v2  }
0xae: {  	v63 =	vld [tilespmem:s25+$0x6080]  }
0xaf: {  	p0 =	sne.s32 s24, $0xC0  }
.Ltmp1:
0xb0: {  	_ = 	snop;
	(pc) =	sbr.rel @p0 .LBB2_5-.Ltmp1, $4  }
0xb1: {  	[tilespmem:v0+s14+$0x0] =	vst.idx.msk $0xffff, v5  }
0xb2: {  	[tilespmem:v1+s14+$0x0] =	vst.idx.msk $0xffff, v5  }
0xb3: {  	[tilespmem:v0+s15+$0x0] =	vst.idx.msk $0xffff, v63  }
0xb4: {  	s24 =	sadd.s32 $0x40, s24;
	[tilespmem:v1+s15+$0x0] =	vst.idx.msk $0xffff, v63  }
0xb5: {  	s24 =	sshll.u32 s22, $0xD  }
0xb6: {  	s25 =	simm.s32 $0xA140;
	s24 =	sadd.s32 s24, s7  }
0xb7: {  	s26 =	simm.s32 $0x10;
	s28 =	simm.s32 $0xA1C8;
	s29 =	sadd.s32 $0x0, s24  }
.LBB2_7:
0xb8: {  	[hbm4b:s29+s2] =	stream.linear.scatter [tilespmem:s25], [sflag:$0x3], $0x80, $0x38;
	[tilespmem:$0x1B140] =	vst v63  }
0xb9: {  	s29 =	smov.u32 s26;
	s25 =	smov.u32 s28;
	p0 =	sne.s32 s26, $0xFF0  }
.Ltmp2:
0xba: {  	s26 =	sadd.s32 $0x10, s26;
	(pc) =	sbr.rel @p0 .LBB2_7-.Ltmp2, $2  }
0xbb: {  	_ =	sdelay $0x2  }
0xbc: {  	s28 =	sadd.s32 $0x88, s28;
	s29 =	sadd.s32 s29, s24  }
0xbd: {  	[hbm4b:s29+s2] =	stream.linear.scatter [tilespmem:s25], [sflag:$0x3], $0x80, $0x38;
	[tilespmem:$0x1B140] =	vst v63  }
0xbe: {  	p0 =	seq.s32 s22, $0x1F  }
0xbf: {  	s24 =	sshll.u32 @!p0 s22, $0x2  }
0xc0: {  	s24 =	sadd.s32 @!p0 s24, s8  }
0xc1: {  	_ =	swait.ge [sflag:s16], $0x4080;
	s24 =	smul.u32 @!p0 $0x408, s24  }
0xc2: {  	p1 =	seq.s32 @!p0 s22, $0x0;
	s25 =	simm.s32 @!p0 $0x0;
	[sflag:s16] =	ssyncset.done $0x0  }
0xc3: {  	s26 =	simm.s32 @!p0 $0x2040;
	[sflag:s16] =	ssyncadd.s32 $0xFFFFBF80;
	s24 =	sadd.s32 @!p0 s4, s24  }
0xc4: {  	[tilespmem:s26], [sflag:$0x1] =	stream.linear.gather @!p0 [hbm4b:s24+s25], $0x4080, $0x38;
	[tilespmem:$0x1B140] =	vst v63  }
0xc5: {  	p0 =	por p0, !p1  }
0xc6: {  	_ =	swait.ge @p0 [sflag:s20], $0x8000  }
0xc7: {  	[sflag:s20] =	ssyncset.done @p0 $0x0  }
0xc8: {  	s29 =	simm.s32 $0x40;
	[sflag:s20] =	ssyncadd.s32 @p0 $0xFFFF8000  }
0xc9: {  	v1 =	vld [tilespmem:s29+$0xFFFFFFC0]  }
0xca: {  	v0 =	vld [tilespmem:s29+$0x10]  }
0xcb: {  	v2 =	vld [tilespmem:s29+$0x30]  }
0xcc: {  	v3 =	vld [tilespmem:s29+$0x20]  }
0xcd: {  	v4 =	vld [tilespmem:s29+$0xFFFFFFE0]  }
0xce: {  	v7 =	vld [tilespmem:s29+$0xFFFFFFF0]  }
0xcf: {  	s31 =	simm.s32 $0xC0;
	v12 =	vld [tilespmem:s29+$0x0]  }
0xd0: {  	v36 =	vld [tilespmem:s31+$0x0];
	v5 =	vshrl.u32 v1, $0x8;
	v6 =	vand.u32 $0xF8, v1;
	v8 =	vshrl.u32 v0, $0x8  }
0xd1: {  	v9 =	vand.u32 $0xFF, v0;
	v10 =	vand.u32 $0xFF, v1;
	v13 =	vshrl.u32 v2, $0x8  }
0xd2: {  	v15 =	vand.u32 $0xFF, v3;
	v17 =	vand.u32 $0xF8, v2;
	v19 =	vand.u32 $0x7, v0  }
0xd3: {  	v18 =	vand.u32 $0xFF, v2;
	v23 =	vand.u32 $0x7, v4;
	v2 =	vand.u32 $0x7, v2  }
0xd4: {  	v22 =	vshrl.u32 v7, $0x8;
	v24 =	vshrl.u32 v12, $0x8;
	v26 =	vand.u32 $0xF8, v0  }
0xd5: {  	v16 =	vld [tilespmem:s29+$0xFFFFFFD0];
	v1 =	vand.u32 $0x7, v1;
	v46 =	vshrl.u32 v36, $0x8;
	v11 =	vmul.u32 $0x88, v5  }
0xd6: {  	v14 =	vand.u32 $0x7, v8;
	v20 =	vand.u32 $0xFFFFF8, v13;
	v18 =	vmul.u32 $0x88, v18  }
0xd7: {  	v9 =	vmul.u32 $0x88, v9;
	v21 =	vmul.u32 $0x88, v13;
	v25 =	vmul.u32 $0x88, v8  }
0xd8: {  	v8 =	vand.u32 $0xFFFFF8, v8;
	v27 =	vmul.u32 $0x88, v24;
	v10 =	vmul.u32 $0x88, v10  }
0xd9: {  	v18 =	vadd.s32 v20, v18;
	v20 =	vand.u32 $0xF8, v7;
	v0 =	vadd.s32 v17, v21  }
0xda: {  	v17 =	vand.u32 $0xFF, v16;
	v21 =	vand.u32 $0x7, v12;
	v8 =	vadd.s32 v8, v9  }
0xdb: {  	v6 =	vadd.s32 v6, v11;
	v11 =	vshrl.u32 v16, $0x8;
	v29 =	vor.u32 v2, v0  }
0xdc: {  	v0 =	vand.u32 $0xFF, v12;
	v2 =	vand.u32 $0xF8, v12;
	v9 =	vor.u32 v14, v8  }
0xdd: {  	v8 =	vand.u32 $0x7, v13;
	v12 =	vand.u32 $0xFF, v4;
	v14 =	vshrl.u32 v4, $0x8  }
0xde: {  	v17 =	vmul.u32 $0x88, v17;
	v2 =	vadd.s32 v2, v27;
	v0 =	vmul.u32 $0x88, v0  }
0xdf: {  	v27 =	vand.u32 $0xF8, v3;
	v28 =	vmul.u32 $0x88, v14;
	v18 =	vor.u32 v8, v18  }
0xe0: {  	v8 =	vand.u32 $0xFFFFF8, v11;
	v13 =	vor.u32 v21, v2;
	v2 =	vand.u32 $0xFFFFF8, v24  }
0xe1: {  	v12 =	vmul.u32 $0x88, v12;
	v0 =	vadd.s32 v2, v0;
	v2 =	vand.u32 $0xFF, v7  }
0xe2: {  	v21 =	vand.u32 $0x7, v24;
	v24 =	vand.u32 $0xFFFFF8, v22;
	v2 =	vmul.u32 $0x88, v2  }
0xe3: {  	v8 =	vadd.s32 v8, v17;
	v17 =	vld [tilespmem:s31+$0x10];
	v7 =	vand.u32 $0x7, v7;
	v31 =	vor.u32 v21, v0  }
0xe4: {  	v0 =	vand.u32 $0x7, v22;
	v21 =	vand.u32 $0x7, v3;
	v2 =	vadd.s32 v24, v2  }
0xe5: {  	v24 =	vshrl.u32 v3, $0x8;
	v3 =	vmul.u32 $0x88, v15;
	v15 =	vand.u32 $0xFFFFF8, v14  }
0xe6: {  	v14 =	vand.u32 $0x7, v14;
	v0 =	vor.u32 v0, v2;
	v2 =	vand.u32 $0xF8, v4  }
0xe7: {  	v4 =	vand.u32 $0x7, v24;
	v30 =	vand.u32 $0xFFFFF8, v24;
	v12 =	vadd.s32 v15, v12  }
0xe8: {  	s30 =	simm.s32 $0x8100;
	v15 =	vadd.s32 v26, v25;
	v45 =	vand.u32 $0x7, v17;
	v49 =	vand.u32 $0xF8, v17  }
0xe9: {  	v33 =	vld [tilespmem:s30+$0xFFFFE030];
	v2 =	vadd.s32 v2, v28;
	v28 =	vmul.u32 $0x88, v22;
	v3 =	vadd.s32 v30, v3  }
0xea: {  	v25 =	vld [tilespmem:s31+$0x30];
	v15 =	vor.u32 v19, v15;
	v19 =	vor.u32 v1, v6;
	v6 =	vand.u32 $0x7, v5  }
0xeb: {  	v26 =	vld [tilespmem:s31+$0xFFFFFFE0];
	v5 =	vand.u32 $0xFFFFF8, v5;
	v35 =	vor.u32 v23, v2;
	v23 =	vor.u32 v14, v12  }
0xec: {  	v22 =	vld [tilespmem:s30+$0x70];
	v2 =	vmul.u32 $0x88, v24;
	v14 =	vmul.u32 $0x88, v11;
	v1 =	vor.u32 v4, v3  }
0xed: {  	v12 =	vld [tilespmem:s30+$0xFFFFE000];
	v4 =	vadd.s32 v5, v10;
	v5 =	vand.u32 $0xF8, v16;
	v20 =	vadd.s32 v20, v28  }
0xee: {  	v10 =	vld [tilespmem:s30+$0xFFFFE010];
	v30 =	vadd.s32 v27, v2;
	v2 =	vand.u32 $0x7, v11;
	v14 =	vadd.s32 v5, v14  }
0xef: {  	v51 =	vld [tilespmem:s30+$0xFFFFDFE0];
	[tilespmem:v29+s17+$0x0] =	vst.idx.msk $0xffff, v33;
	v7 =	vor.u32 v7, v20;
	v20 =	vor.u32 v6, v4;
	v6 =	vshrl.u32 v17, $0x8  }
0xf0: {  	v32 =	vld [tilespmem:s30+$0x40];
	[tilespmem:v18+s17+$0x0] =	vst.idx.msk $0xffff, v33;
	v27 =	vand.u32 $0xFF, v17;
	v17 =	vmul.u32 $0x88, v46;
	v3 =	vor.u32 v2, v8  }
0xf1: {  	v28 =	vld [tilespmem:s31+$0xFFFFFFC0];
	v8 =	vand.u32 $0x7, v16;
	v37 =	vshrl.u32 v25, $0x8;
	v39 =	vand.u32 $0xF8, v25;
	[tilespmem:v29+s18+$0x0] =	vst.idx.msk $0xffff, v22  }
0xf2: {  	v55 =	vld [tilespmem:s30+$0x20];
	v40 =	vand.u32 $0xFF, v25;
	v42 =	vand.u32 $0x7, v26;
	v25 =	vand.u32 $0x7, v25;
	[tilespmem:v13+s17+$0x0] =	vst.idx.msk $0xffff, v12  }
0xf3: {  	v24 =	vld [tilespmem:s30+$0x50];
	v47 =	vmul.u32 $0x88, v6;
	v53 =	vshrl.u32 v26, $0x8;
	v59 =	vand.u32 $0xF8, v26;
	[tilespmem:v15+s17+$0x0] =	vst.idx.msk $0xffff, v10  }
0xf4: {  	v11 =	vld [tilespmem:s31+$0x20];
	v14 =	vor.u32 v8, v14;
	v41 =	vand.u32 $0xFFFFF8, v37;
	v40 =	vmul.u32 $0x88, v40;
	[tilespmem:v35+s17+$0x0] =	vst.idx.msk $0xffff, v51  }
0xf5: {  	v2 =	vld [tilespmem:s31+$0xFFFFFFF0];
	v29 =	vand.u32 $0x7, v37;
	v56 =	vmul.u32 $0x88, v53;
	v62 =	vand.u32 $0xFFFFF8, v53;
	[tilespmem:v31+s17+$0x0] =	vst.idx.msk $0xffff, v12  }
0xf6: {  	v4 =	vld [tilespmem:s31+$0xFFFFFFD0];
	v50 =	vand.u32 $0x7, v53;
	v5 =	vshrl.u32 v28, $0x8;
	v16 =	vand.u32 $0xF8, v28;
	[tilespmem:v9+s17+$0x0] =	vst.idx.msk $0xffff, v10  }
0xf7: {  	v8 =	vand.u32 $0xFF, v28;
	v12 =	vand.u32 $0x7, v6;
	v10 =	vmul.u32 $0x88, v27;
	[tilespmem:v23+s17+$0x0] =	vst.idx.msk $0xffff, v51  }
0xf8: {  	v27 =	vmul.u32 $0x88, v37;
	v40 =	vadd.s32 v41, v40;
	v6 =	vand.u32 $0xFFFFF8, v6;
	[tilespmem:v13+s18+$0x0] =	vst.idx.msk $0xffff, v32  }
0xf9: {  	v61 =	vadd.s32 v59, v56;
	v34 =	vmul.u32 $0x88, v5;
	v38 =	vand.u32 $0xFF, v11;
	[tilespmem:v15+s18+$0x0] =	vst.idx.msk $0xffff, v24  }
0xfa: {  	v43 =	vld [tilespmem:s30+$0xFFFFDFC0];
	v15 =	vand.u32 $0x7, v36;
	v58 =	vshrl.u32 v11, $0x8;
	[tilespmem:v35+s18+$0x0] =	vst.idx.msk $0xffff, v55;
	v44 =	vshrl.u32 v2, $0x8  }
0xfb: {  	v48 =	vand.u32 $0xF8, v2;
	v13 =	vadd.s32 v39, v27;
	[tilespmem:v9+s18+$0x0] =	vst.idx.msk $0xffff, v24;
	v24 =	vand.u32 $0xFF, v4  }
0xfc: {  	v57 =	vld [tilespmem:s30+$0xFFFFDFF0];
	v9 =	vadd.s32 v6, v10;
	v10 =	vand.u32 $0xFF, v36;
	[tilespmem:v31+s18+$0x0] =	vst.idx.msk $0xffff, v32;
	v31 =	vand.u32 $0xFF, v26  }
0xfd: {  	v60 =	vand.u32 $0xFFFFF8, v58;
	v39 =	vmul.u32 $0x88, v58;
	[tilespmem:v23+s18+$0x0] =	vst.idx.msk $0xffff, v55;
	v23 =	vadd.s32 v49, v47  }
0xfe: {  	[tilespmem:v18+s18+$0x0] =	vst.idx.msk $0xffff, v22;
	v27 =	vld [tilespmem:s30+$0x0];
	v6 =	vor.u32 v25, v13;
	v13 =	vand.u32 $0xF8, v36;
	v9 =	vor.u32 v12, v9  }
0xff: {  	v52 =	vld [tilespmem:s30+$0xFFFFDFD0];
	[tilespmem:v19+s17+$0x0] =	vst.idx.msk $0xffff, v43;
	v10 =	vmul.u32 $0x88, v10;
	v54 =	vand.u32 $0xFFFFF8, v44;
	v34 =	vadd.s32 v16, v34  }
0x100: {  	v35 =	vld [tilespmem:s30+$0x60];
	[tilespmem:v20+s17+$0x0] =	vst.idx.msk $0xffff, v43;
	v16 =	vand.u32 $0x7, v44;
	v32 =	vmul.u32 $0x88, v24;
	v31 =	vmul.u32 $0x88, v31  }
0x101: {  	s24 =	simm.s32 $0x8180;
	v24 =	vand.u32 $0x7, v11;
	v36 =	vld [tilespmem:s30+$0x30];
	[tilespmem:v7+s17+$0x0] =	vst.idx.msk $0xffff, v57;
	v12 =	vadd.s32 v13, v17;
	v17 =	vand.u32 $0xF8, v11  }
0x102: {  	v26 =	vld [tilespmem:s24+$0x70];
	v11 =	vmul.u32 $0x88, v38;
	[tilespmem:v0+s17+$0x0] =	vst.idx.msk $0xffff, v57;
	v13 =	vor.u32 v15, v12;
	v12 =	vand.u32 $0xFFFFF8, v46  }
0x103: {  	v15 =	vand.u32 $0x7, v46;
	v10 =	vadd.s32 v12, v10;
	v12 =	vand.u32 $0xFF, v2;
	[tilespmem:v19+s18+$0x0] =	vst.idx.msk $0xffff, v27;
	v19 =	vld [tilespmem:s30+$0x10]  }
0x104: {  	v63 =	vmul.u32 $0x88, v44;
	[tilespmem:v20+s18+$0x0] =	vst.idx.msk $0xffff, v27;
	v27 =	vmul.u32 $0x88, v12;
	v12 =	vor.u32 v15, v10;
	v15 =	vld [tilespmem:s24+$0xFFFFE030]  }
0x105: {  	v44 =	vld [tilespmem:s24+$0xFFFFE000];
	v38 =	vor.u32 v45, v23;
	v31 =	vadd.s32 v62, v31;
	v37 =	vadd.s32 v60, v11  }
0x106: {  	v25 =	vshrl.u32 v4, $0x8;
	v43 =	vld [tilespmem:s30+$0xFFFFE020];
	v11 =	vor.u32 v50, v31;
	[tilespmem:v14+s17+$0x0] =	vst.idx.msk $0xffff, v52;
	v27 =	vadd.s32 v54, v27  }
0x107: {  	v41 =	vmul.u32 $0x88, v25;
	v31 =	vld [tilespmem:s24+$0x50];
	v20 =	vor.u32 v29, v40;
	[tilespmem:v3+s17+$0x0] =	vst.idx.msk $0xffff, v52;
	v16 =	vor.u32 v16, v27  }
0x108: {  	v29 =	vand.u32 $0xFFFFF8, v25;
	v10 =	vld [tilespmem:s24+$0x40];
	[tilespmem:v14+s18+$0x0] =	vst.idx.msk $0xffff, v19;
	v14 =	vor.u32 v42, v61;
	v42 =	vor.u32 v21, v30  }
0x109: {  	s28 =	simm.s32 $0x140;
	s26 =	simm.s32 $0x8;
	s25 =	simm.s32 $0x8180;
	v40 =	vld [tilespmem:s24+$0xFFFFE010];
	v27 =	vand.u32 $0x7, v58;
	v30 =	vand.u32 $0x7, v28;
	v28 =	vadd.s32 v48, v63;
	[tilespmem:v6+s17+$0x0] =	vst.idx.msk $0xffff, v15  }
.LBB2_9:
0x10a: {  	v18 =	vld [tilespmem:s28+$0xFFFFFFC0];
	s26 =	sadd.s32 $0x8, s26;
	v34 =	vor.u32 v30, v34;
	v33 =	vand.u32 $0x7, v5;
	v29 =	vadd.s32 v29, v32;
	s24 =	sadd.s32 $0x80, s24;
	[tilespmem:v7+s18+$0x0] =	vst.idx.msk $0xffff, v36  }
0x10b: {  	v7 =	vmul.u32 $0x88, v8;
	v5 =	vand.u32 $0xFFFFF8, v5;
	v22 =	vadd.s32 v17, v39;
	v21 =	vmovc v20;
	v32 =	vld [tilespmem:s28+$0x10];
	p0 =	slt.u32 s26, $0x1F8;
	[tilespmem:v13+s17+$0x0] =	vst.idx.msk $0xffff, v44  }
0x10c: {  	v8 =	vand.u32 $0x7, v25;
	v2 =	vand.u32 $0x7, v2;
	v20 =	vor.u32 v27, v37;
	v23 =	vmovc v26;
	v17 =	vld [tilespmem:s28+$0x30];
	[tilespmem:v12+s17+$0x0] =	vst.idx.msk $0xffff, v44  }
0x10d: {  	v8 =	vor.u32 v8, v29;
	v25 =	vadd.s32 v5, v7;
	v5 =	vand.u32 $0xF8, v4;
	v30 =	vld [tilespmem:s28+$0x20];
	[tilespmem:v42+s17+$0x0] =	vst.idx.msk $0xffff, v43  }
0x10e: {  	v27 =	vand.u32 $0x7, v4;
	v7 =	vor.u32 v2, v28;
	v29 =	vadd.s32 v5, v41;
	v26 =	vld [tilespmem:s28+$0xFFFFFFE0];
	[tilespmem:v1+s17+$0x0] =	vst.idx.msk $0xffff, v43  }
0x10f: {  	v25 =	vor.u32 v33, v25;
	v5 =	vshrl.u32 v18, $0x8;
	v37 =	vand.u32 $0xF8, v18;
	v4 =	vld [tilespmem:s28+$0xFFFFFFD0];
	[tilespmem:v3+s18+$0x0] =	vst.idx.msk $0xffff, v19;
	v3 =	vmovc v8  }
0x110: {  	v28 =	vmovc v24;
	v41 =	vor.u32 v27, v29;
	v2 =	vld [tilespmem:s28+$0xFFFFFFF0];
	v19 =	vshrl.u32 v32, $0x8;
	v39 =	vand.u32 $0xFF, v32;
	[tilespmem:v42+s18+$0x0] =	vst.idx.msk $0xffff, v35  }
0x111: {  	v8 =	vand.u32 $0xFF, v18;
	v24 =	vmul.u32 $0x88, v5;
	v27 =	vld [tilespmem:s28+$0x0];
	v29 =	vshrl.u32 v17, $0x8;
	[tilespmem:v1+s18+$0x0] =	vst.idx.msk $0xffff, v35;
	v1 =	vmovc v20  }
0x112: {  	v35 =	vand.u32 $0x7, v19;
	v43 =	vand.u32 $0xF8, v17;
	v20 =	vld [tilespmem:s24+$0x40];
	v42 =	vand.u32 $0xFF, v30;
	[tilespmem:v0+s18+$0x0] =	vst.idx.msk $0xffff, v36;
	v0 =	vmovc v16  }
0x113: {  	v33 =	vand.u32 $0x7, v32;
	v16 =	vand.u32 $0xFF, v17;
	v36 =	vand.u32 $0xFFFFF8, v29;
	[tilespmem:v38+s17+$0x0] =	vst.idx.msk $0xffff, v40  }
0x114: {  	v17 =	vand.u32 $0x7, v17;
	v45 =	vand.u32 $0x7, v26;
	v16 =	vmul.u32 $0x88, v16;
	v44 =	vld [tilespmem:s25+$0xFFFFDFC0];
	[tilespmem:v9+s17+$0x0] =	vst.idx.msk $0xffff, v40  }
0x115: {  	v39 =	vmul.u32 $0x88, v39;
	v46 =	vmul.u32 $0x88, v29;
	v40 =	vshrl.u32 v2, $0x8;
	[tilespmem:v13+s18+$0x0] =	vst.idx.msk $0xffff, v10  }
0x116: {  	v48 =	vmul.u32 $0x88, v19;
	v16 =	vadd.s32 v36, v16;
	v47 =	vshrl.u32 v27, $0x8;
	[tilespmem:v38+s18+$0x0] =	vst.idx.msk $0xffff, v31  }
0x117: {  	v49 =	vand.u32 $0xF8, v32;
	v13 =	vadd.s32 v43, v46;
	v38 =	vand.u32 $0xF8, v2;
	[tilespmem:v9+s18+$0x0] =	vst.idx.msk $0xffff, v31  }
0x118: {  	v32 =	vand.u32 $0x7, v27;
	v31 =	vand.u32 $0xFF, v4;
	v9 =	vand.u32 $0xFFFFF8, v19;
	v36 =	vld [tilespmem:s25+$0x0];
	[tilespmem:v21+s17+$0x0] =	vst.idx.msk $0xffff, v15  }
0x119: {  	v13 =	vor.u32 v17, v13;
	v15 =	vmul.u32 $0x88, v47;
	v9 =	vadd.s32 v9, v39;
	[tilespmem:v34+s17+$0x0] =	vst.idx.msk $0xffff, v44  }
0x11a: {  	v17 =	vand.u32 $0xFF, v27;
	v19 =	vand.u32 $0xF8, v27;
	v9 =	vor.u32 v35, v9;
	v27 =	vld [tilespmem:s25+$0xFFFFDFE0];
	[tilespmem:v6+s18+$0x0] =	vst.idx.msk $0xffff, v23;
	v6 =	vmovc v13  }
0x11b: {  	v29 =	vand.u32 $0x7, v29;
	v13 =	vadd.s32 v19, v15;
	v15 =	vmul.u32 $0x88, v17;
	v35 =	vld [tilespmem:s25+$0xFFFFDFD0];
	[tilespmem:v12+s18+$0x0] =	vst.idx.msk $0xffff, v10;
	v10 =	vmovc v20  }
0x11c: {  	v39 =	vand.u32 $0xFF, v26;
	v13 =	vor.u32 v32, v13;
	v12 =	vand.u32 $0xFFFFF8, v47;
	[tilespmem:v25+s17+$0x0] =	vst.idx.msk $0xffff, v44  }
0x11d: {  	v43 =	vshrl.u32 v26, $0x8;
	v20 =	vand.u32 $0x7, v47;
	v12 =	vadd.s32 v12, v15;
	[tilespmem:v34+s18+$0x0] =	vst.idx.msk $0xffff, v36;
	v19 =	vld [tilespmem:s25+$0x10]  }
0x11e: {  	v17 =	vand.u32 $0xF8, v30;
	v32 =	vand.u32 $0xFFFFF8, v40;
	v15 =	vand.u32 $0xFF, v2;
	[tilespmem:v25+s18+$0x0] =	vst.idx.msk $0xffff, v36;
	v46 =	vld [tilespmem:s25+$0x20]  }
0x11f: {  	v44 =	vmul.u32 $0x88, v15;
	v12 =	vor.u32 v20, v12;
	v36 =	vmul.u32 $0x88, v43;
	v15 =	vld [tilespmem:s24+$0xFFFFE030];
	[tilespmem:v14+s17+$0x0] =	vst.idx.msk $0xffff, v27  }
0x120: {  	v34 =	vadd.s32 v37, v24;
	v20 =	vor.u32 v29, v16;
	v25 =	vshrl.u32 v4, $0x8;
	[tilespmem:v41+s17+$0x0] =	vst.idx.msk $0xffff, v35  }
0x121: {  	v16 =	vand.u32 $0x7, v40;
	v29 =	vand.u32 $0xFFFFF8, v25;
	v24 =	vadd.s32 v32, v44;
	[tilespmem:v11+s17+$0x0] =	vst.idx.msk $0xffff, v27;
	v47 =	vld [tilespmem:s25+$0xFFFFDFF0]  }
0x122: {  	v32 =	vmul.u32 $0x88, v31;
	v31 =	vshrl.u32 v30, $0x8;
	v16 =	vor.u32 v16, v24;
	[tilespmem:v3+s17+$0x0] =	vst.idx.msk $0xffff, v35  }
0x123: {  	v37 =	vand.u32 $0xF8, v26;
	v50 =	vand.u32 $0xFFFFF8, v31;
	v27 =	vand.u32 $0x7, v31;
	v26 =	vld [tilespmem:s24+$0x70];
	[tilespmem:v14+s18+$0x0] =	vst.idx.msk $0xffff, v46  }
0x124: {  	v24 =	vand.u32 $0x7, v30;
	v30 =	vmul.u32 $0x88, v42;
	v14 =	vmul.u32 $0x88, v39;
	[tilespmem:v6+s17+$0x0] =	vst.idx.msk $0xffff, v15;
	v35 =	vld [tilespmem:s25+$0x60]  }
.Ltmp3:
0x125: {  	v40 =	vmul.u32 $0x88, v40;
	v39 =	vadd.s32 v37, v36;
	v37 =	vand.u32 $0xFFFFF8, v43;
	[tilespmem:v41+s18+$0x0] =	vst.idx.msk $0xffff, v19;
	v36 =	vld [tilespmem:s25+$0x30];
	(pc) =	sbr.rel @p0 .LBB2_9-.Ltmp3, $4  }
0x126: {  	v41 =	vand.u32 $0x7, v43;
	v42 =	vadd.s32 v37, v14;
	v37 =	vadd.s32 v50, v30;
	v44 =	vld [tilespmem:s24+$0xFFFFE000];
	[tilespmem:v7+s17+$0x0] =	vst.idx.msk $0xffff, v47  }
0x127: {  	v14 =	vor.u32 v45, v39;
	v39 =	vmul.u32 $0x88, v31;
	[tilespmem:v11+s18+$0x0] =	vst.idx.msk $0xffff, v46;
	v11 =	vor.u32 v41, v42;
	v43 =	vld [tilespmem:s25+$0xFFFFE020];
	s25 =	smov.u32 s24  }
0x128: {  	v45 =	vadd.s32 v49, v48;
	v41 =	vmul.u32 $0x88, v25;
	v42 =	vor.u32 v28, v22;
	v31 =	vld [tilespmem:s24+$0x50];
	[tilespmem:v0+s17+$0x0] =	vst.idx.msk $0xffff, v47  }
0x129: {  	s28 =	sadd.s32 $0x80, s28;
	v30 =	vand.u32 $0x7, v18;
	v28 =	vadd.s32 v38, v40;
	v38 =	vor.u32 v33, v45;
	v40 =	vld [tilespmem:s24+$0xFFFFE010];
	[tilespmem:v21+s18+$0x0] =	vst.idx.msk $0xffff, v23  }
0x12a: {  	_ =	sdelay $0x3  }
0x12b: {  	[tilespmem:v7+s18+$0x0] =	vst.idx.msk $0xffff, v36  }
0x12c: {  	[tilespmem:v3+s18+$0x0] =	vst.idx.msk $0xffff, v19  }
0x12d: {  	[tilespmem:v20+s17+$0x0] =	vst.idx.msk $0xffff, v15  }
0x12e: {  	[tilespmem:v13+s17+$0x0] =	vst.idx.msk $0xffff, v44  }
0x12f: {  	[tilespmem:v0+s18+$0x0] =	vst.idx.msk $0xffff, v36  }
0x130: {  	[tilespmem:v6+s18+$0x0] =	vst.idx.msk $0xffff, v26  }
0x131: {  	[tilespmem:v12+s17+$0x0] =	vst.idx.msk $0xffff, v44  }
0x132: {  	[tilespmem:v42+s17+$0x0] =	vst.idx.msk $0xffff, v43  }
0x133: {  	[tilespmem:v20+s18+$0x0] =	vst.idx.msk $0xffff, v26  }
0x134: {  	[tilespmem:v1+s17+$0x0] =	vst.idx.msk $0xffff, v43  }
0x135: {  	[tilespmem:v13+s18+$0x0] =	vst.idx.msk $0xffff, v10  }
0x136: {  	v50 =	vld [tilespmem:s25+$0xFFFFDFE0];
	[tilespmem:v42+s18+$0x0] =	vst.idx.msk $0xffff, v35  }
0x137: {  	[tilespmem:v38+s17+$0x0] =	vst.idx.msk $0xffff, v40  }
0x138: {  	v59 =	vadd.s32 v17, v39;
	[tilespmem:v12+s18+$0x0] =	vst.idx.msk $0xffff, v10  }
0x139: {  	v48 =	vand.u32 $0xF8, v4;
	v61 =	vld [tilespmem:s25+$0xFFFFE020];
	v6 =	vor.u32 v24, v59;
	[tilespmem:v1+s18+$0x0] =	vst.idx.msk $0xffff, v35  }
0x13a: {  	v49 =	vand.u32 $0x7, v4;
	v51 =	vld [tilespmem:s25+$0xFFFFDFD0];
	v7 =	vadd.s32 v48, v41;
	[tilespmem:v9+s17+$0x0] =	vst.idx.msk $0xffff, v40  }
0x13b: {  	v55 =	vld [tilespmem:s25+$0x20];
	v4 =	vor.u32 v49, v7;
	[tilespmem:v14+s17+$0x0] =	vst.idx.msk $0xffff, v50  }
0x13c: {  	[tilespmem:v38+s18+$0x0] =	vst.idx.msk $0xffff, v31  }
0x13d: {  	v52 =	vadd.s32 v29, v32;
	v53 =	vand.u32 $0x7, v25;
	v62 =	vor.u32 v27, v37;
	[tilespmem:v11+s17+$0x0] =	vst.idx.msk $0xffff, v50  }
0x13e: {  	v63 =	vld [tilespmem:s25+$0x60];
	v54 =	vor.u32 v53, v52;
	v43 =	vmul.u32 $0x88, v8;
	[tilespmem:v6+s17+$0x0] =	vst.idx.msk $0xffff, v61  }
0x13f: {  	v45 =	vand.u32 $0xFFFFF8, v5;
	v57 =	vld [tilespmem:s25+$0x10];
	[tilespmem:v9+s18+$0x0] =	vst.idx.msk $0xffff, v31  }
0x140: {  	v46 =	vand.u32 $0x7, v5;
	v44 =	vld [tilespmem:s25+$0xFFFFDFC0];
	v42 =	vor.u32 v30, v34;
	v1 =	vadd.s32 v45, v43;
	[tilespmem:v4+s17+$0x0] =	vst.idx.msk $0xffff, v51  }
0x141: {  	v1 =	vor.u32 v46, v1;
	[tilespmem:v14+s18+$0x0] =	vst.idx.msk $0xffff, v55  }
0x142: {  	v47 =	vld [tilespmem:s25+$0x0];
	[tilespmem:v62+s17+$0x0] =	vst.idx.msk $0xffff, v61  }
0x143: {  	[tilespmem:v54+s17+$0x0] =	vst.idx.msk $0xffff, v51  }
0x144: {  	[tilespmem:v11+s18+$0x0] =	vst.idx.msk $0xffff, v55  }
0x145: {  	[tilespmem:v42+s17+$0x0] =	vst.idx.msk $0xffff, v44  }
0x146: {  	[tilespmem:v1+s17+$0x0] =	vst.idx.msk $0xffff, v44  }
0x147: {  	v56 =	vand.u32 $0x7, v2;
	[tilespmem:v42+s18+$0x0] =	vst.idx.msk $0xffff, v47  }
0x148: {  	v58 =	vld [tilespmem:s25+$0xFFFFDFF0];
	[tilespmem:v1+s18+$0x0] =	vst.idx.msk $0xffff, v47;
	v1 =	vor.u32 v56, v28  }
0x149: {  	[tilespmem:v6+s18+$0x0] =	vst.idx.msk $0xffff, v63  }
0x14a: {  	v60 =	vld [tilespmem:s25+$0x30];
	[tilespmem:v4+s18+$0x0] =	vst.idx.msk $0xffff, v57  }
0x14b: {  	[tilespmem:v62+s18+$0x0] =	vst.idx.msk $0xffff, v63  }
0x14c: {  	[tilespmem:v54+s18+$0x0] =	vst.idx.msk $0xffff, v57  }
0x14d: {  	[tilespmem:v1+s17+$0x0] =	vst.idx.msk $0xffff, v58  }
0x14e: {  	[tilespmem:v16+s17+$0x0] =	vst.idx.msk $0xffff, v58  }
0x14f: {  	[tilespmem:v1+s18+$0x0] =	vst.idx.msk $0xffff, v60  }
0x150: {  	s24 =	simm.s32 $0x0;
	[tilespmem:v16+s18+$0x0] =	vst.idx.msk $0xffff, v60  }
.LBB2_11:
0x151: {  	s25 =	sshra.s32 s24, $0x2  }
0x152: {  	v0 =	vld [tilespmem:s25+$0x2000];
	_ =	sdelay $0x4  }
0x153: {  	v1 =	vshrl.u32 v0, $0x8  }
0x154: {  	v2 =	vand.u32 $0xFF, v0;
	v3 =	vmul.u32 $0x88, v1  }
0x155: {  	v4 =	vand.u32 $0xF8, v0;
	v2 =	vmul.u32 $0x88, v2  }
0x156: {  	v0 =	vand.u32 $0x7, v0;
	v62 =	vand.u32 $0xFFFFF8, v1;
	v3 =	vadd.s32 v4, v3  }
0x157: {  	v5 =	vld [tilespmem:s25+$0x80C0];
	v1 =	vand.u32 $0x7, v1;
	v2 =	vadd.s32 v62, v2;
	v0 =	vor.u32 v0, v3  }
0x158: {  	v1 =	vor.u32 v1, v2  }
0x159: {  	v63 =	vld [tilespmem:s25+$0xA100]  }
0x15a: {  	p0 =	sne.s32 s24, $0xC0  }
.Ltmp4:
0x15b: {  	_ = 	snop;
	(pc) =	sbr.rel @p0 .LBB2_11-.Ltmp4, $4  }
0x15c: {  	[tilespmem:v0+s17+$0x0] =	vst.idx.msk $0xffff, v5  }
0x15d: {  	[tilespmem:v1+s17+$0x0] =	vst.idx.msk $0xffff, v5  }
0x15e: {  	[tilespmem:v0+s18+$0x0] =	vst.idx.msk $0xffff, v63  }
0x15f: {  	s24 =	sadd.s32 $0x40, s24;
	[tilespmem:v1+s18+$0x0] =	vst.idx.msk $0xffff, v63  }
0x160: {  	s23 =	sshll.u32 s23, $0xC  }
0x161: {  	s24 =	simm.s32 $0x12940;
	s23 =	sadd.s32 s23, s7  }
0x162: {  	s25 =	simm.s32 $0x10;
	s26 =	simm.s32 $0x129C8;
	s28 =	sadd.s32 $0x0, s23  }
.LBB2_13:
0x163: {  	[hbm4b:s28+s2] =	stream.linear.scatter [tilespmem:s24], [sflag:$0x4], $0x80, $0x38;
	[tilespmem:$0x1B140] =	vst v63  }
0x164: {  	s28 =	smov.u32 s25;
	s24 =	smov.u32 s26;
	p0 =	sne.s32 s25, $0xFF0  }
.Ltmp5:
0x165: {  	s25 =	sadd.s32 $0x10, s25;
	(pc) =	sbr.rel @p0 .LBB2_13-.Ltmp5, $2  }
0x166: {  	_ =	sdelay $0x2  }
0x167: {  	s26 =	sadd.s32 $0x88, s26;
	s28 =	sadd.s32 s28, s23  }
0x168: {  	s22 =	sadd.s32 $0x1, s22  }
0x169: {  	p0 =	sne.s32 s22, $0x20  }
.Ltmp6:
0x16a: {  	_ = 	snop;
	(pc) =	sbr.rel @p0 .LBB2_2-.Ltmp6, $2  }
0x16b: {  	_ =	sdelay $0x2  }
0x16c: {  	[hbm4b:s28+s2] =	stream.linear.scatter [tilespmem:s24], [sflag:$0x4], $0x80, $0x38;
	[tilespmem:$0x1B140] =	vst v63  }
0x16d: {  	s21 =	sadd.s32 $0x1, s21  }
0x16e: {  	_ =	swait.ge [sflag:s19], $0x8000;
	p0 =	sne.s32 s21, s9  }
.Ltmp7:
0x16f: {  	[sflag:s19] =	ssyncset.done $0x0;
	(pc) =	sbr.rel @p0 .LBB2_1-.Ltmp7, $4  }
0x170: {  	[sflag:s19] =	ssyncadd.s32 $0xFFFF8000  }
0x171: {  	_ =	swait.ge [sflag:s20], $0x8000  }
0x172: {  	[sflag:s20] =	ssyncset.done $0x0  }
0x173: {  	[sflag:s20] =	ssyncadd.s32 $0xFFFF8000  }
0x174: {  	_ =	sfence.sel $0x180000  }
0x175: {  	[bflag:$0x0] =	sbarrier.arrive $0xFFFF  }
0x176: {  	p0 =	sne.s32 s1, $0x0;
	_ =	strace $0x90000047  }
0x177: {  	s0 =	sadd.s32 @!p0 $0x100000, s0;
	[bflag:$0x2] =	sbarrier.arrive $0xFFFF  }
0x178: {  	[sflag:s0] =	ssyncadd.tile.s32 @!p0 $0x1;
	_ =	shalt  }
.Lfunc_end2:
_tile_overlayer_lowered:
.L_overlay_start_2:
0x179: {  	(tag) =	ssettag $0x2  }
0x17a: {  	s0 =	rddreg [dreg:$0x0];
	s2 =	stileid.u32  }
0x17b: {  	s1 =	rddreg [dreg:$0x1];
	p0 =	sne.s32 s2, $0x0  }
0x17c: {  	s3 =	rddreg [dreg:$0x2];
	[bflag:$0x3] =	sbarrier.arrive $0xFFFF;
	s2 =	simm.s32 @!p0 $0x1C05  }
0x17d: {  	[timem:s3], [sflag:s2] =	dma.local @!p0 [hbm:s0], s1  }
0x17e: {  	s0 =	simm.s32 @!p0 $0x5  }
0x17f: {  	_ =	swait.ge @!p0 [sflag:s0], s1  }
0x180: {  	s1 =	ssub.s32 @!p0 $0x0, s1;
	[sflag:s0] =	ssyncset.done @!p0 $0x0  }
0x181: {  	[sflag:s0] =	ssyncadd.s32 @!p0 s1  }
0x182: {  	[bflag:$0x3] =	sbarrier.arrive $0xFFFF  }
0x183: {  	_ =	shalt  }

</sc_bundles>
